<compile_context>
chip_gen: v7x
topology: tpu7x:2x2x1
jax: 0.10.2.dev20260603
libtpu: 0.0.44.dev20260713+nightly
codegen_flags: <defaults>
</compile_context>

<pallas_src>
import jax
import jax.numpy as jnp
from jax import lax
from jax.experimental import pallas as pl
from jax.experimental.pallas import tpu as pltpu
from jax.experimental.pallas import tpu_sc as plsc

_VOCAB = 1000
_EMB = 64
_BATCH = 16384
_HIST = 50

_NC = 2
_NS = 16
_NW = _NC * _NS

_BW = _BATCH // _NW
_L = 16


def _body(ids_hbm, table_hbm, out_hbm, idsT_v, table_v, tb0, tb1,
          isem, tsem, ssem0, ssem1):
    c_id = lax.axis_index("c")
    s_id = lax.axis_index("s")
    wid = s_id * _NC + c_id
    base = wid * _BW

    pltpu.async_copy(ids_hbm.at[:, pl.ds(base, _BW)], idsT_v, isem)
    pltpu.async_copy(table_hbm, table_v, tsem)
    pltpu.make_async_copy(ids_hbm.at[:, pl.ds(base, _BW)], idsT_v, isem).wait()
    pltpu.make_async_copy(table_hbm, table_v, tsem).wait()

    tbufs = (tb0, tb1)
    ssems = (ssem0, ssem1)

    def store_desc(h, half):
        return pltpu.make_async_copy(
            tbufs[half],
            out_hbm.at[h, :, pl.ds(4 * wid + 2 * half, 2)],
            ssems[half],
        )

    def do_unit(h, half, first):
        idvecs = [
            idsT_v[h, pl.ds(256 * half + _L * j, _L)] for j in range(16)
        ]

        @pl.when(jnp.logical_not(first))
        def _():
            store_desc(h, half).wait()

        def col_body(i, carry):
            eb = i // 8
            de = i - eb * 8
            vals = [
                plsc.load_gather(table_v, [idvecs[j] + i]) for j in range(16)
            ]
            for j in range(16):
                bb = j // 8
                db0 = _L * (j - bb * 8)
                tbufs[half][eb, bb, de, pl.ds(db0, _L)] = vals[j]
            return carry

        lax.fori_loop(0, _EMB, col_body, 0)

        store_desc(h, half).start()

    def h_body(h, carry):
        do_unit(h, 0, h == 0)
        do_unit(h, 1, h == 0)
        return carry

    lax.fori_loop(0, _HIST, h_body, 0)

    store_desc(_HIST - 1, 0).wait()
    store_desc(_HIST - 1, 1).wait()


def kernel(ids, table):
    run = pl.kernel(
        _body,
        out_type=jax.ShapeDtypeStruct((_HIST, 8, 128, 8, 128), jnp.float32),
        mesh=plsc.VectorSubcoreMesh(core_axis_name="c", subcore_axis_name="s"),
        compiler_params=pltpu.CompilerParams(
            use_tc_tiling_on_sc=False, needs_layout_passes=False
        ),
        scratch_types=[
            pltpu.VMEM((_HIST, _BW), jnp.int32),
            pltpu.VMEM((_VOCAB * (_EMB + 1),), jnp.float32),
            pltpu.VMEM((8, 2, 8, 128), jnp.float32),
            pltpu.VMEM((8, 2, 8, 128), jnp.float32),
            pltpu.SemaphoreType.DMA,
            pltpu.SemaphoreType.DMA,
            pltpu.SemaphoreType.DMA,
            pltpu.SemaphoreType.DMA,
        ],
    )
    ids65t = (ids * (_EMB + 1)).T
    table65 = jnp.pad(table, ((0, 0), (0, 1))).reshape(_VOCAB * (_EMB + 1))
    out5 = run(ids65t, table65)
    return out5.transpose(2, 4, 0, 1, 3).reshape(_BATCH, _HIST, _EMB)

# --- scband reference (transcript-rebuilt; emitter-appended) ---
"""Pipeline reference for scband-embedder-22565758173341 (READ-ONLY COPY).

The authoritative reference and input builder live on the scoring server;
editing this copy changes nothing except your own understanding.
"""

import jax, jax.numpy as jnp
import numpy as np

VOCAB = 1000
EMB = 64
BATCH = 16384
HIST = 50

def setup_inputs(seed: int = 0) -> dict:
    key = jax.random.key(seed)
    k1, k2 = jax.random.split(key)
    ids = jax.random.randint(k1, (BATCH, HIST), 0, VOCAB, dtype=jnp.int32)
    # Embedding table (nn.Embedding default init is N(0,1))
    table = jax.random.normal(k2, (VOCAB, EMB), dtype=jnp.float32)
    return {"ids": ids, "table": table}

def reference(ids, table):
    # Faithful translation of Embedder.forward: a pure embedding lookup
    # self.emb(ids) -> table[ids]
    return jnp.take(table, ids, axis=0)

if __name__ == "__main__":
    import jax
    _d = setup_inputs()
    print(jax.jit(kernel)(*tuple(_d.values())))

</pallas_src>

<mosaic_0001>
#map = affine_map<(d0, d1) -> (0, 0)>
#map1 = affine_map<(d0, d1) -> (0)>
#map2 = affine_map<(d0, d1) -> (0, 0, 0, 0, 0)>
module attributes {stable_mosaic.version = 14 : i64} {
  func.func @_body(%arg0: i32, %arg1: i32, %arg2: memref<50x16384xi32, #tpu.memory_space<hbm>>, %arg3: memref<65000xf32, #tpu.memory_space<hbm>>, %arg4: memref<50x8x128x8x128xf32, #tpu.memory_space<hbm>>, %arg5: memref<50x512xi32, #tpu.memory_space<vmem>>, %arg6: memref<65000xf32, #tpu.memory_space<vmem>>, %arg7: memref<8x2x8x128xf32, #tpu.memory_space<vmem>>, %arg8: memref<8x2x8x128xf32, #tpu.memory_space<vmem>>, %arg9: memref<!tpu.dma_semaphore, #tpu.memory_space<semaphore_mem>>, %arg10: memref<!tpu.dma_semaphore, #tpu.memory_space<semaphore_mem>>, %arg11: memref<!tpu.dma_semaphore, #tpu.memory_space<semaphore_mem>>, %arg12: memref<!tpu.dma_semaphore, #tpu.memory_space<semaphore_mem>>) attributes {dimension_semantics = [#tpu.dimension_semantics<core_parallel>, #tpu.dimension_semantics<subcore_parallel>], iteration_bounds = array<i64: 2, 16>, scalar_prefetch = 0 : i64, scratch_operands = 8 : i64, tpu.core_type = #tpu.core_type<sc_vector_subcore>, window_params = [{transform_indices = #map}, {transform_indices = #map1}, {transform_indices = #map2}]} {
    %mul3A = arith.constant 2 : i32
    %mul3A_0 = arith.muli %arg1, %mul3A : i32
    %add3A = arith.addi %mul3A_0, %arg0 : i32
    %mul3A_1 = arith.constant 512 : i32
    %mul3A_2 = arith.muli %add3A, %mul3A_1 : i32
    %dma_start3A = arith.constant 0 : i32
    %dma_start3A_3 = tpu.memref_slice %arg2[%dma_start3A, %mul3A_2] : memref<50x16384xi32, #tpu.memory_space<hbm>> -> memref<50x512xi32, #tpu.memory_space<hbm>>
    %dma_start3A_4 = arith.constant 0 : i32
    %dma_start3A_5 = tpu.memref_slice %arg2[%dma_start3A_4, %mul3A_2] : memref<50x16384xi32, #tpu.memory_space<hbm>> -> memref<50x512xi32, #tpu.memory_space<hbm>>
    tpu.enqueue_dma source(%dma_start3A_5 : memref<50x512xi32, #tpu.memory_space<hbm>>) target(%arg5 : memref<50x512xi32, #tpu.memory_space<vmem>>) target_semaphore(%arg9 : memref<!tpu.dma_semaphore, #tpu.memory_space<semaphore_mem>>)
    tpu.enqueue_dma source(%arg3 : memref<65000xf32, #tpu.memory_space<hbm>>) target(%arg6 : memref<65000xf32, #tpu.memory_space<vmem>>) target_semaphore(%arg10 : memref<!tpu.dma_semaphore, #tpu.memory_space<semaphore_mem>>)
    %dma_wait3A = arith.constant 0 : i32
    %dma_wait3A_6 = tpu.memref_slice %arg2[%dma_wait3A, %mul3A_2] : memref<50x16384xi32, #tpu.memory_space<hbm>> -> memref<50x512xi32, #tpu.memory_space<hbm>>
    %dma_wait3A_7 = arith.constant 0 : i32
    %dma_wait3A_8 = tpu.memref_slice %arg2[%dma_wait3A_7, %mul3A_2] : memref<50x16384xi32, #tpu.memory_space<hbm>> -> memref<50x512xi32, #tpu.memory_space<hbm>>
    tpu.wait_dma2 semaphore(%arg9 : memref<!tpu.dma_semaphore, #tpu.memory_space<semaphore_mem>>) src(%dma_wait3A_8 : memref<50x512xi32, #tpu.memory_space<hbm>>) dst(%arg5 : memref<50x512xi32, #tpu.memory_space<vmem>>)
    tpu.wait_dma2 semaphore(%arg10 : memref<!tpu.dma_semaphore, #tpu.memory_space<semaphore_mem>>) src(%arg3 : memref<65000xf32, #tpu.memory_space<hbm>>) dst(%arg6 : memref<65000xf32, #tpu.memory_space<vmem>>)
    %scan3A = arith.constant 0 : i32
    %scan3A_9 = arith.constant 0 : i32
    %scan3A_10 = arith.constant 50 : i32
    %scan3A_11 = arith.addi %scan3A_9, %scan3A_10 : i32
    %scan3A_12 = arith.constant 1 : i32
    scf.for %scan3A_44 = %scan3A_9 to %scan3A_11 step %scan3A_12  : i32 {
      %eq3A = arith.constant 0 : i32
      %eq3A_45 = arith.cmpi eq, %scan3A_44, %eq3A : i32
      %get3A = arith.index_cast %scan3A_44 : i32 to index
      %get3A_46 = arith.constant 0 : index
      %get3A_47 = tpu.vector_load %arg5[%get3A, %get3A_46] {strides = array<i32>} : memref<50x512xi32, #tpu.memory_space<vmem>>, vector<16xi32>,
      %get3A_48 = arith.index_cast %scan3A_44 : i32 to index
      %get3A_49 = arith.constant 16 : index
      %get3A_50 = tpu.vector_load %arg5[%get3A_48, %get3A_49] {strides = array<i32>} : memref<50x512xi32, #tpu.memory_space<vmem>>, vector<16xi32>,
      %get3A_51 = arith.index_cast %scan3A_44 : i32 to index
      %get3A_52 = arith.constant 32 : index
      %get3A_53 = tpu.vector_load %arg5[%get3A_51, %get3A_52] {strides = array<i32>} : memref<50x512xi32, #tpu.memory_space<vmem>>, vector<16xi32>,
      %get3A_54 = arith.index_cast %scan3A_44 : i32 to index
      %get3A_55 = arith.constant 48 : index
      %get3A_56 = tpu.vector_load %arg5[%get3A_54, %get3A_55] {strides = array<i32>} : memref<50x512xi32, #tpu.memory_space<vmem>>, vector<16xi32>,
      %get3A_57 = arith.index_cast %scan3A_44 : i32 to index
      %get3A_58 = arith.constant 64 : index
      %get3A_59 = tpu.vector_load %arg5[%get3A_57, %get3A_58] {strides = array<i32>} : memref<50x512xi32, #tpu.memory_space<vmem>>, vector<16xi32>,
      %get3A_60 = arith.index_cast %scan3A_44 : i32 to index
      %get3A_61 = arith.constant 80 : index
      %get3A_62 = tpu.vector_load %arg5[%get3A_60, %get3A_61] {strides = array<i32>} : memref<50x512xi32, #tpu.memory_space<vmem>>, vector<16xi32>,
      %get3A_63 = arith.index_cast %scan3A_44 : i32 to index
      %get3A_64 = arith.constant 96 : index
      %get3A_65 = tpu.vector_load %arg5[%get3A_63, %get3A_64] {strides = array<i32>} : memref<50x512xi32, #tpu.memory_space<vmem>>, vector<16xi32>,
      %get3A_66 = arith.index_cast %scan3A_44 : i32 to index
      %get3A_67 = arith.constant 112 : index
      %get3A_68 = tpu.vector_load %arg5[%get3A_66, %get3A_67] {strides = array<i32>} : memref<50x512xi32, #tpu.memory_space<vmem>>, vector<16xi32>,
      %get3A_69 = arith.index_cast %scan3A_44 : i32 to index
      %get3A_70 = arith.constant 128 : index
      %get3A_71 = tpu.vector_load %arg5[%get3A_69, %get3A_70] {strides = array<i32>} : memref<50x512xi32, #tpu.memory_space<vmem>>, vector<16xi32>,
      %get3A_72 = arith.index_cast %scan3A_44 : i32 to index
      %get3A_73 = arith.constant 144 : index
      %get3A_74 = tpu.vector_load %arg5[%get3A_72, %get3A_73] {strides = array<i32>} : memref<50x512xi32, #tpu.memory_space<vmem>>, vector<16xi32>,
      %get3A_75 = arith.index_cast %scan3A_44 : i32 to index
      %get3A_76 = arith.constant 160 : index
      %get3A_77 = tpu.vector_load %arg5[%get3A_75, %get3A_76] {strides = array<i32>} : memref<50x512xi32, #tpu.memory_space<vmem>>, vector<16xi32>,
      %get3A_78 = arith.index_cast %scan3A_44 : i32 to index
      %get3A_79 = arith.constant 176 : index
      %get3A_80 = tpu.vector_load %arg5[%get3A_78, %get3A_79] {strides = array<i32>} : memref<50x512xi32, #tpu.memory_space<vmem>>, vector<16xi32>,
      %get3A_81 = arith.index_cast %scan3A_44 : i32 to index
      %get3A_82 = arith.constant 192 : index
      %get3A_83 = tpu.vector_load %arg5[%get3A_81, %get3A_82] {strides = array<i32>} : memref<50x512xi32, #tpu.memory_space<vmem>>, vector<16xi32>,
      %get3A_84 = arith.index_cast %scan3A_44 : i32 to index
      %get3A_85 = arith.constant 208 : index
      %get3A_86 = tpu.vector_load %arg5[%get3A_84, %get3A_85] {strides = array<i32>} : memref<50x512xi32, #tpu.memory_space<vmem>>, vector<16xi32>,
      %get3A_87 = arith.index_cast %scan3A_44 : i32 to index
      %get3A_88 = arith.constant 224 : index
      %get3A_89 = tpu.vector_load %arg5[%get3A_87, %get3A_88] {strides = array<i32>} : memref<50x512xi32, #tpu.memory_space<vmem>>, vector<16xi32>,
      %get3A_90 = arith.index_cast %scan3A_44 : i32 to index
      %get3A_91 = arith.constant 240 : index
      %get3A_92 = tpu.vector_load %arg5[%get3A_90, %get3A_91] {strides = array<i32>} : memref<50x512xi32, #tpu.memory_space<vmem>>, vector<16xi32>,
      %not3A = arith.constant true
      %not3A_93 = arith.xori %eq3A_45, %not3A : i1
      %convert_element_type3A = arith.extui %not3A_93 : i1 to i32
      %cond3A = arith.constant 0 : i32
      %cond3A_94 = arith.cmpi ne, %convert_element_type3A, %cond3A : i32
      scf.if %cond3A_94 {
        %mul3A_190 = arith.constant 4 : i32
        %mul3A_191 = arith.muli %mul3A_190, %add3A : i32
        %add3A_192 = arith.constant 0 : i32
        %add3A_193 = arith.addi %mul3A_191, %add3A_192 : i32
        %dma_wait3A_194 = arith.constant 0 : i32
        %dma_wait3A_195 = arith.constant 0 : i32
        %dma_wait3A_196 = arith.constant 0 : i32
        %dma_wait3A_197 = tpu.memref_slice %arg4[%scan3A_44, %dma_wait3A_194, %add3A_193, %dma_wait3A_195, %dma_wait3A_196] : memref<50x8x128x8x128xf32, #tpu.memory_space<hbm>> -> memref<1x8x2x8x128xf32, #tpu.memory_space<hbm>>
        %dma_wait3A_198 = tpu.memref_squeeze %dma_wait3A_197 : memref<1x8x2x8x128xf32, #tpu.memory_space<hbm>> -> memref<8x2x8x128xf32, #tpu.memory_space<hbm>>
        %dma_wait3A_199 = arith.constant 0 : i32
        %dma_wait3A_200 = arith.constant 0 : i32
        %dma_wait3A_201 = arith.constant 0 : i32
        %dma_wait3A_202 = tpu.memref_slice %arg4[%scan3A_44, %dma_wait3A_199, %add3A_193, %dma_wait3A_200, %dma_wait3A_201] : memref<50x8x128x8x128xf32, #tpu.memory_space<hbm>> -> memref<1x8x2x8x128xf32, #tpu.memory_space<hbm>>
        %dma_wait3A_203 = tpu.memref_squeeze %dma_wait3A_202 : memref<1x8x2x8x128xf32, #tpu.memory_space<hbm>> -> memref<8x2x8x128xf32, #tpu.memory_space<hbm>>
        tpu.wait_dma2 semaphore(%arg11 : memref<!tpu.dma_semaphore, #tpu.memory_space<semaphore_mem>>) src(%arg7 : memref<8x2x8x128xf32, #tpu.memory_space<vmem>>) dst(%dma_wait3A_203 : memref<8x2x8x128xf32, #tpu.memory_space<hbm>>)
      } else {
      }
      %scan3A_95 = arith.constant 0 : i32
      %scan3A_96 = arith.constant 0 : i32
      %scan3A_97 = arith.constant 64 : i32
      %scan3A_98 = arith.addi %scan3A_96, %scan3A_97 : i32
      %scan3A_99 = arith.constant 1 : i32
      scf.for %scan3A_190 = %scan3A_96 to %scan3A_98 step %scan3A_99  : i32 {
        %jit3A = arith.constant 8 : i32
        %div3A = arith.divsi %scan3A_190, %jit3A : i32
        %sign3A = arith.constant 0 : i32
        %sign3A_191 = arith.cmpi sgt, %scan3A_190, %sign3A : i32
        %sign3A_192 = arith.extui %sign3A_191 : i1 to i32
        %sign3A_193 = arith.constant 0 : i32
        %sign3A_194 = arith.cmpi slt, %scan3A_190, %sign3A_193 : i32
        %sign3A_195 = arith.extui %sign3A_194 : i1 to i32
        %sign3A_196 = arith.subi %sign3A_192, %sign3A_195 : i32
        %sign3A_197 = arith.constant 0 : i32
        %sign3A_198 = arith.cmpi sgt, %jit3A, %sign3A_197 : i32
        %sign3A_199 = arith.extui %sign3A_198 : i1 to i32
        %sign3A_200 = arith.constant 0 : i32
        %sign3A_201 = arith.cmpi slt, %jit3A, %sign3A_200 : i32
        %sign3A_202 = arith.extui %sign3A_201 : i1 to i32
        %sign3A_203 = arith.subi %sign3A_199, %sign3A_202 : i32
        %ne3A = arith.cmpi ne, %sign3A_196, %sign3A_203 : i32
        %rem3A = arith.remsi %scan3A_190, %jit3A : i32
        %ne3A_204 = arith.constant 0 : i32
        %ne3A_205 = arith.cmpi ne, %rem3A, %ne3A_204 : i32
        %and3A = arith.andi %ne3A, %ne3A_205 : i1
        %sub3A = arith.constant 1 : i32
        %sub3A_206 = arith.subi %div3A, %sub3A : i32
        %select_n3A = arith.select %and3A, %sub3A_206, %div3A : i32
        %mul3A_207 = arith.constant 8 : i32
        %mul3A_208 = arith.muli %select_n3A, %mul3A_207 : i32
        %sub3A_209 = arith.subi %scan3A_190, %mul3A_208 : i32
        %add3A_210 = vector.broadcast %scan3A_190 : i32 to vector<16xi32>
        %add3A_211 = arith.addi %get3A_47, %add3A_210 : vector<16xi32>
        %gather3A = tpu.vector_load_idx %arg6[%add3A_211] : memref<65000xf32, #tpu.memory_space<vmem>>[vector<16xi32>], vector<16xf32>,
        %add3A_212 = vector.broadcast %scan3A_190 : i32 to vector<16xi32>
        %add3A_213 = arith.addi %get3A_50, %add3A_212 : vector<16xi32>
        %gather3A_214 = tpu.vector_load_idx %arg6[%add3A_213] : memref<65000xf32, #tpu.memory_space<vmem>>[vector<16xi32>], vector<16xf32>,
        %add3A_215 = vector.broadcast %scan3A_190 : i32 to vector<16xi32>
        %add3A_216 = arith.addi %get3A_53, %add3A_215 : vector<16xi32>
        %gather3A_217 = tpu.vector_load_idx %arg6[%add3A_216] : memref<65000xf32, #tpu.memory_space<vmem>>[vector<16xi32>], vector<16xf32>,
        %add3A_218 = vector.broadcast %scan3A_190 : i32 to vector<16xi32>
        %add3A_219 = arith.addi %get3A_56, %add3A_218 : vector<16xi32>
        %gather3A_220 = tpu.vector_load_idx %arg6[%add3A_219] : memref<65000xf32, #tpu.memory_space<vmem>>[vector<16xi32>], vector<16xf32>,
        %add3A_221 = vector.broadcast %scan3A_190 : i32 to vector<16xi32>
        %add3A_222 = arith.addi %get3A_59, %add3A_221 : vector<16xi32>
        %gather3A_223 = tpu.vector_load_idx %arg6[%add3A_222] : memref<65000xf32, #tpu.memory_space<vmem>>[vector<16xi32>], vector<16xf32>,
        %add3A_224 = vector.broadcast %scan3A_190 : i32 to vector<16xi32>
        %add3A_225 = arith.addi %get3A_62, %add3A_224 : vector<16xi32>
        %gather3A_226 = tpu.vector_load_idx %arg6[%add3A_225] : memref<65000xf32, #tpu.memory_space<vmem>>[vector<16xi32>], vector<16xf32>,
        %add3A_227 = vector.broadcast %scan3A_190 : i32 to vector<16xi32>
        %add3A_228 = arith.addi %get3A_65, %add3A_227 : vector<16xi32>
        %gather3A_229 = tpu.vector_load_idx %arg6[%add3A_228] : memref<65000xf32, #tpu.memory_space<vmem>>[vector<16xi32>], vector<16xf32>,
        %add3A_230 = vector.broadcast %scan3A_190 : i32 to vector<16xi32>
        %add3A_231 = arith.addi %get3A_68, %add3A_230 : vector<16xi32>
        %gather3A_232 = tpu.vector_load_idx %arg6[%add3A_231] : memref<65000xf32, #tpu.memory_space<vmem>>[vector<16xi32>], vector<16xf32>,
        %add3A_233 = vector.broadcast %scan3A_190 : i32 to vector<16xi32>
        %add3A_234 = arith.addi %get3A_71, %add3A_233 : vector<16xi32>
        %gather3A_235 = tpu.vector_load_idx %arg6[%add3A_234] : memref<65000xf32, #tpu.memory_space<vmem>>[vector<16xi32>], vector<16xf32>,
        %add3A_236 = vector.broadcast %scan3A_190 : i32 to vector<16xi32>
        %add3A_237 = arith.addi %get3A_74, %add3A_236 : vector<16xi32>
        %gather3A_238 = tpu.vector_load_idx %arg6[%add3A_237] : memref<65000xf32, #tpu.memory_space<vmem>>[vector<16xi32>], vector<16xf32>,
        %add3A_239 = vector.broadcast %scan3A_190 : i32 to vector<16xi32>
        %add3A_240 = arith.addi %get3A_77, %add3A_239 : vector<16xi32>
        %gather3A_241 = tpu.vector_load_idx %arg6[%add3A_240] : memref<65000xf32, #tpu.memory_space<vmem>>[vector<16xi32>], vector<16xf32>,
        %add3A_242 = vector.broadcast %scan3A_190 : i32 to vector<16xi32>
        %add3A_243 = arith.addi %get3A_80, %add3A_242 : vector<16xi32>
        %gather3A_244 = tpu.vector_load_idx %arg6[%add3A_243] : memref<65000xf32, #tpu.memory_space<vmem>>[vector<16xi32>], vector<16xf32>,
        %add3A_245 = vector.broadcast %scan3A_190 : i32 to vector<16xi32>
        %add3A_246 = arith.addi %get3A_83, %add3A_245 : vector<16xi32>
        %gather3A_247 = tpu.vector_load_idx %arg6[%add3A_246] : memref<65000xf32, #tpu.memory_space<vmem>>[vector<16xi32>], vector<16xf32>,
        %add3A_248 = vector.broadcast %scan3A_190 : i32 to vector<16xi32>
        %add3A_249 = arith.addi %get3A_86, %add3A_248 : vector<16xi32>
        %gather3A_250 = tpu.vector_load_idx %arg6[%add3A_249] : memref<65000xf32, #tpu.memory_space<vmem>>[vector<16xi32>], vector<16xf32>,
        %add3A_251 = vector.broadcast %scan3A_190 : i32 to vector<16xi32>
        %add3A_252 = arith.addi %get3A_89, %add3A_251 : vector<16xi32>
        %gather3A_253 = tpu.vector_load_idx %arg6[%add3A_252] : memref<65000xf32, #tpu.memory_space<vmem>>[vector<16xi32>], vector<16xf32>,
        %add3A_254 = vector.broadcast %scan3A_190 : i32 to vector<16xi32>
        %add3A_255 = arith.addi %get3A_92, %add3A_254 : vector<16xi32>
        %gather3A_256 = tpu.vector_load_idx %arg6[%add3A_255] : memref<65000xf32, #tpu.memory_space<vmem>>[vector<16xi32>], vector<16xf32>,
        %swap3A = arith.constant 0 : i32
        %swap3A_257 = arith.index_cast %select_n3A : i32 to index
        %swap3A_258 = arith.index_cast %swap3A : i32 to index
        %swap3A_259 = arith.index_cast %sub3A_209 : i32 to index
        %swap3A_260 = arith.constant 0 : index
        %swap3A_261 = tpu.vector_load %arg7[%swap3A_257, %swap3A_258, %swap3A_259, %swap3A_260] {strides = array<i32>} : memref<8x2x8x128xf32, #tpu.memory_space<vmem>>, vector<16xf32>,
        tpu.vector_store %arg7[%swap3A_257, %swap3A_258, %swap3A_259, %swap3A_260], %gather3A {strides = array<i32>} : memref<8x2x8x128xf32, #tpu.memory_space<vmem>>, vector<16xf32>,
        %swap3A_262 = arith.constant 0 : i32
        %swap3A_263 = arith.index_cast %select_n3A : i32 to index
        %swap3A_264 = arith.index_cast %swap3A_262 : i32 to index
        %swap3A_265 = arith.index_cast %sub3A_209 : i32 to index
        %swap3A_266 = arith.constant 16 : index
        %swap3A_267 = tpu.vector_load %arg7[%swap3A_263, %swap3A_264, %swap3A_265, %swap3A_266] {strides = array<i32>} : memref<8x2x8x128xf32, #tpu.memory_space<vmem>>, vector<16xf32>,
        tpu.vector_store %arg7[%swap3A_263, %swap3A_264, %swap3A_265, %swap3A_266], %gather3A_214 {strides = array<i32>} : memref<8x2x8x128xf32, #tpu.memory_space<vmem>>, vector<16xf32>,
        %swap3A_268 = arith.constant 0 : i32
        %swap3A_269 = arith.index_cast %select_n3A : i32 to index
        %swap3A_270 = arith.index_cast %swap3A_268 : i32 to index
        %swap3A_271 = arith.index_cast %sub3A_209 : i32 to index
        %swap3A_272 = arith.constant 32 : index
        %swap3A_273 = tpu.vector_load %arg7[%swap3A_269, %swap3A_270, %swap3A_271, %swap3A_272] {strides = array<i32>} : memref<8x2x8x128xf32, #tpu.memory_space<vmem>>, vector<16xf32>,
        tpu.vector_store %arg7[%swap3A_269, %swap3A_270, %swap3A_271, %swap3A_272], %gather3A_217 {strides = array<i32>} : memref<8x2x8x128xf32, #tpu.memory_space<vmem>>, vector<16xf32>,
        %swap3A_274 = arith.constant 0 : i32
        %swap3A_275 = arith.index_cast %select_n3A : i32 to index
        %swap3A_276 = arith.index_cast %swap3A_274 : i32 to index
        %swap3A_277 = arith.index_cast %sub3A_209 : i32 to index
        %swap3A_278 = arith.constant 48 : index
        %swap3A_279 = tpu.vector_load %arg7[%swap3A_275, %swap3A_276, %swap3A_277, %swap3A_278] {strides = array<i32>} : memref<8x2x8x128xf32, #tpu.memory_space<vmem>>, vector<16xf32>,
        tpu.vector_store %arg7[%swap3A_275, %swap3A_276, %swap3A_277, %swap3A_278], %gather3A_220 {strides = array<i32>} : memref<8x2x8x128xf32, #tpu.memory_space<vmem>>, vector<16xf32>,
        %swap3A_280 = arith.constant 0 : i32
        %swap3A_281 = arith.index_cast %select_n3A : i32 to index
        %swap3A_282 = arith.index_cast %swap3A_280 : i32 to index
        %swap3A_283 = arith.index_cast %sub3A_209 : i32 to index
        %swap3A_284 = arith.constant 64 : index
        %swap3A_285 = tpu.vector_load %arg7[%swap3A_281, %swap3A_282, %swap3A_283, %swap3A_284] {strides = array<i32>} : memref<8x2x8x128xf32, #tpu.memory_space<vmem>>, vector<16xf32>,
        tpu.vector_store %arg7[%swap3A_281, %swap3A_282, %swap3A_283, %swap3A_284], %gather3A_223 {strides = array<i32>} : memref<8x2x8x128xf32, #tpu.memory_space<vmem>>, vector<16xf32>,
        %swap3A_286 = arith.constant 0 : i32
        %swap3A_287 = arith.index_cast %select_n3A : i32 to index
        %swap3A_288 = arith.index_cast %swap3A_286 : i32 to index
        %swap3A_289 = arith.index_cast %sub3A_209 : i32 to index
        %swap3A_290 = arith.constant 80 : index
        %swap3A_291 = tpu.vector_load %arg7[%swap3A_287, %swap3A_288, %swap3A_289, %swap3A_290] {strides = array<i32>} : memref<8x2x8x128xf32, #tpu.memory_space<vmem>>, vector<16xf32>,
        tpu.vector_store %arg7[%swap3A_287, %swap3A_288, %swap3A_289, %swap3A_290], %gather3A_226 {strides = array<i32>} : memref<8x2x8x128xf32, #tpu.memory_space<vmem>>, vector<16xf32>,
        %swap3A_292 = arith.constant 0 : i32
        %swap3A_293 = arith.index_cast %select_n3A : i32 to index
        %swap3A_294 = arith.index_cast %swap3A_292 : i32 to index
        %swap3A_295 = arith.index_cast %sub3A_209 : i32 to index
        %swap3A_296 = arith.constant 96 : index
        %swap3A_297 = tpu.vector_load %arg7[%swap3A_293, %swap3A_294, %swap3A_295, %swap3A_296] {strides = array<i32>} : memref<8x2x8x128xf32, #tpu.memory_space<vmem>>, vector<16xf32>,
        tpu.vector_store %arg7[%swap3A_293, %swap3A_294, %swap3A_295, %swap3A_296], %gather3A_229 {strides = array<i32>} : memref<8x2x8x128xf32, #tpu.memory_space<vmem>>, vector<16xf32>,
        %swap3A_298 = arith.constant 0 : i32
        %swap3A_299 = arith.index_cast %select_n3A : i32 to index
        %swap3A_300 = arith.index_cast %swap3A_298 : i32 to index
        %swap3A_301 = arith.index_cast %sub3A_209 : i32 to index
        %swap3A_302 = arith.constant 112 : index
        %swap3A_303 = tpu.vector_load %arg7[%swap3A_299, %swap3A_300, %swap3A_301, %swap3A_302] {strides = array<i32>} : memref<8x2x8x128xf32, #tpu.memory_space<vmem>>, vector<16xf32>,
        tpu.vector_store %arg7[%swap3A_299, %swap3A_300, %swap3A_301, %swap3A_302], %gather3A_232 {strides = array<i32>} : memref<8x2x8x128xf32, #tpu.memory_space<vmem>>, vector<16xf32>,
        %swap3A_304 = arith.constant 1 : i32
        %swap3A_305 = arith.index_cast %select_n3A : i32 to index
        %swap3A_306 = arith.index_cast %swap3A_304 : i32 to index
        %swap3A_307 = arith.index_cast %sub3A_209 : i32 to index
        %swap3A_308 = arith.constant 0 : index
        %swap3A_309 = tpu.vector_load %arg7[%swap3A_305, %swap3A_306, %swap3A_307, %swap3A_308] {strides = array<i32>} : memref<8x2x8x128xf32, #tpu.memory_space<vmem>>, vector<16xf32>,
        tpu.vector_store %arg7[%swap3A_305, %swap3A_306, %swap3A_307, %swap3A_308], %gather3A_235 {strides = array<i32>} : memref<8x2x8x128xf32, #tpu.memory_space<vmem>>, vector<16xf32>,
        %swap3A_310 = arith.constant 1 : i32
        %swap3A_311 = arith.index_cast %select_n3A : i32 to index
        %swap3A_312 = arith.index_cast %swap3A_310 : i32 to index
        %swap3A_313 = arith.index_cast %sub3A_209 : i32 to index
        %swap3A_314 = arith.constant 16 : index
        %swap3A_315 = tpu.vector_load %arg7[%swap3A_311, %swap3A_312, %swap3A_313, %swap3A_314] {strides = array<i32>} : memref<8x2x8x128xf32, #tpu.memory_space<vmem>>, vector<16xf32>,
        tpu.vector_store %arg7[%swap3A_311, %swap3A_312, %swap3A_313, %swap3A_314], %gather3A_238 {strides = array<i32>} : memref<8x2x8x128xf32, #tpu.memory_space<vmem>>, vector<16xf32>,
        %swap3A_316 = arith.constant 1 : i32
        %swap3A_317 = arith.index_cast %select_n3A : i32 to index
        %swap3A_318 = arith.index_cast %swap3A_316 : i32 to index
        %swap3A_319 = arith.index_cast %sub3A_209 : i32 to index
        %swap3A_320 = arith.constant 32 : index
        %swap3A_321 = tpu.vector_load %arg7[%swap3A_317, %swap3A_318, %swap3A_319, %swap3A_320] {strides = array<i32>} : memref<8x2x8x128xf32, #tpu.memory_space<vmem>>, vector<16xf32>,
        tpu.vector_store %arg7[%swap3A_317, %swap3A_318, %swap3A_319, %swap3A_320], %gather3A_241 {strides = array<i32>} : memref<8x2x8x128xf32, #tpu.memory_space<vmem>>, vector<16xf32>,
        %swap3A_322 = arith.constant 1 : i32
        %swap3A_323 = arith.index_cast %select_n3A : i32 to index
        %swap3A_324 = arith.index_cast %swap3A_322 : i32 to index
        %swap3A_325 = arith.index_cast %sub3A_209 : i32 to index
        %swap3A_326 = arith.constant 48 : index
        %swap3A_327 = tpu.vector_load %arg7[%swap3A_323, %swap3A_324, %swap3A_325, %swap3A_326] {strides = array<i32>} : memref<8x2x8x128xf32, #tpu.memory_space<vmem>>, vector<16xf32>,
        tpu.vector_store %arg7[%swap3A_323, %swap3A_324, %swap3A_325, %swap3A_326], %gather3A_244 {strides = array<i32>} : memref<8x2x8x128xf32, #tpu.memory_space<vmem>>, vector<16xf32>,
        %swap3A_328 = arith.constant 1 : i32
        %swap3A_329 = arith.index_cast %select_n3A : i32 to index
        %swap3A_330 = arith.index_cast %swap3A_328 : i32 to index
        %swap3A_331 = arith.index_cast %sub3A_209 : i32 to index
        %swap3A_332 = arith.constant 64 : index
        %swap3A_333 = tpu.vector_load %arg7[%swap3A_329, %swap3A_330, %swap3A_331, %swap3A_332] {strides = array<i32>} : memref<8x2x8x128xf32, #tpu.memory_space<vmem>>, vector<16xf32>,
        tpu.vector_store %arg7[%swap3A_329, %swap3A_330, %swap3A_331, %swap3A_332], %gather3A_247 {strides = array<i32>} : memref<8x2x8x128xf32, #tpu.memory_space<vmem>>, vector<16xf32>,
        %swap3A_334 = arith.constant 1 : i32
        %swap3A_335 = arith.index_cast %select_n3A : i32 to index
        %swap3A_336 = arith.index_cast %swap3A_334 : i32 to index
        %swap3A_337 = arith.index_cast %sub3A_209 : i32 to index
        %swap3A_338 = arith.constant 80 : index
        %swap3A_339 = tpu.vector_load %arg7[%swap3A_335, %swap3A_336, %swap3A_337, %swap3A_338] {strides = array<i32>} : memref<8x2x8x128xf32, #tpu.memory_space<vmem>>, vector<16xf32>,
        tpu.vector_store %arg7[%swap3A_335, %swap3A_336, %swap3A_337, %swap3A_338], %gather3A_250 {strides = array<i32>} : memref<8x2x8x128xf32, #tpu.memory_space<vmem>>, vector<16xf32>,
        %swap3A_340 = arith.constant 1 : i32
        %swap3A_341 = arith.index_cast %select_n3A : i32 to index
        %swap3A_342 = arith.index_cast %swap3A_340 : i32 to index
        %swap3A_343 = arith.index_cast %sub3A_209 : i32 to index
        %swap3A_344 = arith.constant 96 : index
        %swap3A_345 = tpu.vector_load %arg7[%swap3A_341, %swap3A_342, %swap3A_343, %swap3A_344] {strides = array<i32>} : memref<8x2x8x128xf32, #tpu.memory_space<vmem>>, vector<16xf32>,
        tpu.vector_store %arg7[%swap3A_341, %swap3A_342, %swap3A_343, %swap3A_344], %gather3A_253 {strides = array<i32>} : memref<8x2x8x128xf32, #tpu.memory_space<vmem>>, vector<16xf32>,
        %swap3A_346 = arith.constant 1 : i32
        %swap3A_347 = arith.index_cast %select_n3A : i32 to index
        %swap3A_348 = arith.index_cast %swap3A_346 : i32 to index
        %swap3A_349 = arith.index_cast %sub3A_209 : i32 to index
        %swap3A_350 = arith.constant 112 : index
        %swap3A_351 = tpu.vector_load %arg7[%swap3A_347, %swap3A_348, %swap3A_349, %swap3A_350] {strides = array<i32>} : memref<8x2x8x128xf32, #tpu.memory_space<vmem>>, vector<16xf32>,
        tpu.vector_store %arg7[%swap3A_347, %swap3A_348, %swap3A_349, %swap3A_350], %gather3A_256 {strides = array<i32>} : memref<8x2x8x128xf32, #tpu.memory_space<vmem>>, vector<16xf32>,
      }
      %scan3A_100 = arith.constant 64 : i32
      %mul3A_101 = arith.constant 4 : i32
      %mul3A_102 = arith.muli %mul3A_101, %add3A : i32
      %add3A_103 = arith.constant 0 : i32
      %add3A_104 = arith.addi %mul3A_102, %add3A_103 : i32
      %dma_start3A_105 = arith.constant 0 : i32
      %dma_start3A_106 = arith.constant 0 : i32
      %dma_start3A_107 = arith.constant 0 : i32
      %dma_start3A_108 = tpu.memref_slice %arg4[%scan3A_44, %dma_start3A_105, %add3A_104, %dma_start3A_106, %dma_start3A_107] : memref<50x8x128x8x128xf32, #tpu.memory_space<hbm>> -> memref<1x8x2x8x128xf32, #tpu.memory_space<hbm>>
      %dma_start3A_109 = tpu.memref_squeeze %dma_start3A_108 : memref<1x8x2x8x128xf32, #tpu.memory_space<hbm>> -> memref<8x2x8x128xf32, #tpu.memory_space<hbm>>
      %dma_start3A_110 = arith.constant 0 : i32
      %dma_start3A_111 = arith.constant 0 : i32
      %dma_start3A_112 = arith.constant 0 : i32
      %dma_start3A_113 = tpu.memref_slice %arg4[%scan3A_44, %dma_start3A_110, %add3A_104, %dma_start3A_111, %dma_start3A_112] : memref<50x8x128x8x128xf32, #tpu.memory_space<hbm>> -> memref<1x8x2x8x128xf32, #tpu.memory_space<hbm>>
      %dma_start3A_114 = tpu.memref_squeeze %dma_start3A_113 : memref<1x8x2x8x128xf32, #tpu.memory_space<hbm>> -> memref<8x2x8x128xf32, #tpu.memory_space<hbm>>
      tpu.enqueue_dma source(%arg7 : memref<8x2x8x128xf32, #tpu.memory_space<vmem>>) target(%dma_start3A_114 : memref<8x2x8x128xf32, #tpu.memory_space<hbm>>) target_semaphore(%arg11 : memref<!tpu.dma_semaphore, #tpu.memory_space<semaphore_mem>>)
      %eq3A_115 = arith.constant 0 : i32
      %eq3A_116 = arith.cmpi eq, %scan3A_44, %eq3A_115 : i32
      %get3A_117 = arith.index_cast %scan3A_44 : i32 to index
      %get3A_118 = arith.constant 256 : index
      %get3A_119 = tpu.vector_load %arg5[%get3A_117, %get3A_118] {strides = array<i32>} : memref<50x512xi32, #tpu.memory_space<vmem>>, vector<16xi32>,
      %get3A_120 = arith.index_cast %scan3A_44 : i32 to index
      %get3A_121 = arith.constant 272 : index
      %get3A_122 = tpu.vector_load %arg5[%get3A_120, %get3A_121] {strides = array<i32>} : memref<50x512xi32, #tpu.memory_space<vmem>>, vector<16xi32>,
      %get3A_123 = arith.index_cast %scan3A_44 : i32 to index
      %get3A_124 = arith.constant 288 : index
      %get3A_125 = tpu.vector_load %arg5[%get3A_123, %get3A_124] {strides = array<i32>} : memref<50x512xi32, #tpu.memory_space<vmem>>, vector<16xi32>,
      %get3A_126 = arith.index_cast %scan3A_44 : i32 to index
      %get3A_127 = arith.constant 304 : index
      %get3A_128 = tpu.vector_load %arg5[%get3A_126, %get3A_127] {strides = array<i32>} : memref<50x512xi32, #tpu.memory_space<vmem>>, vector<16xi32>,
      %get3A_129 = arith.index_cast %scan3A_44 : i32 to index
      %get3A_130 = arith.constant 320 : index
      %get3A_131 = tpu.vector_load %arg5[%get3A_129, %get3A_130] {strides = array<i32>} : memref<50x512xi32, #tpu.memory_space<vmem>>, vector<16xi32>,
      %get3A_132 = arith.index_cast %scan3A_44 : i32 to index
      %get3A_133 = arith.constant 336 : index
      %get3A_134 = tpu.vector_load %arg5[%get3A_132, %get3A_133] {strides = array<i32>} : memref<50x512xi32, #tpu.memory_space<vmem>>, vector<16xi32>,
      %get3A_135 = arith.index_cast %scan3A_44 : i32 to index
      %get3A_136 = arith.constant 352 : index
      %get3A_137 = tpu.vector_load %arg5[%get3A_135, %get3A_136] {strides = array<i32>} : memref<50x512xi32, #tpu.memory_space<vmem>>, vector<16xi32>,
      %get3A_138 = arith.index_cast %scan3A_44 : i32 to index
      %get3A_139 = arith.constant 368 : index
      %get3A_140 = tpu.vector_load %arg5[%get3A_138, %get3A_139] {strides = array<i32>} : memref<50x512xi32, #tpu.memory_space<vmem>>, vector<16xi32>,
      %get3A_141 = arith.index_cast %scan3A_44 : i32 to index
      %get3A_142 = arith.constant 384 : index
      %get3A_143 = tpu.vector_load %arg5[%get3A_141, %get3A_142] {strides = array<i32>} : memref<50x512xi32, #tpu.memory_space<vmem>>, vector<16xi32>,
      %get3A_144 = arith.index_cast %scan3A_44 : i32 to index
      %get3A_145 = arith.constant 400 : index
      %get3A_146 = tpu.vector_load %arg5[%get3A_144, %get3A_145] {strides = array<i32>} : memref<50x512xi32, #tpu.memory_space<vmem>>, vector<16xi32>,
      %get3A_147 = arith.index_cast %scan3A_44 : i32 to index
      %get3A_148 = arith.constant 416 : index
      %get3A_149 = tpu.vector_load %arg5[%get3A_147, %get3A_148] {strides = array<i32>} : memref<50x512xi32, #tpu.memory_space<vmem>>, vector<16xi32>,
      %get3A_150 = arith.index_cast %scan3A_44 : i32 to index
      %get3A_151 = arith.constant 432 : index
      %get3A_152 = tpu.vector_load %arg5[%get3A_150, %get3A_151] {strides = array<i32>} : memref<50x512xi32, #tpu.memory_space<vmem>>, vector<16xi32>,
      %get3A_153 = arith.index_cast %scan3A_44 : i32 to index
      %get3A_154 = arith.constant 448 : index
      %get3A_155 = tpu.vector_load %arg5[%get3A_153, %get3A_154] {strides = array<i32>} : memref<50x512xi32, #tpu.memory_space<vmem>>, vector<16xi32>,
      %get3A_156 = arith.index_cast %scan3A_44 : i32 to index
      %get3A_157 = arith.constant 464 : index
      %get3A_158 = tpu.vector_load %arg5[%get3A_156, %get3A_157] {strides = array<i32>} : memref<50x512xi32, #tpu.memory_space<vmem>>, vector<16xi32>,
      %get3A_159 = arith.index_cast %scan3A_44 : i32 to index
      %get3A_160 = arith.constant 480 : index
      %get3A_161 = tpu.vector_load %arg5[%get3A_159, %get3A_160] {strides = array<i32>} : memref<50x512xi32, #tpu.memory_space<vmem>>, vector<16xi32>,
      %get3A_162 = arith.index_cast %scan3A_44 : i32 to index
      %get3A_163 = arith.constant 496 : index
      %get3A_164 = tpu.vector_load %arg5[%get3A_162, %get3A_163] {strides = array<i32>} : memref<50x512xi32, #tpu.memory_space<vmem>>, vector<16xi32>,
      %not3A_165 = arith.constant true
      %not3A_166 = arith.xori %eq3A_116, %not3A_165 : i1
      %convert_element_type3A_167 = arith.extui %not3A_166 : i1 to i32
      %cond3A_168 = arith.constant 0 : i32
      %cond3A_169 = arith.cmpi ne, %convert_element_type3A_167, %cond3A_168 : i32
      scf.if %cond3A_169 {
        %mul3A_190 = arith.constant 4 : i32
        %mul3A_191 = arith.muli %mul3A_190, %add3A : i32
        %add3A_192 = arith.constant 2 : i32
        %add3A_193 = arith.addi %mul3A_191, %add3A_192 : i32
        %dma_wait3A_194 = arith.constant 0 : i32
        %dma_wait3A_195 = arith.constant 0 : i32
        %dma_wait3A_196 = arith.constant 0 : i32
        %dma_wait3A_197 = tpu.memref_slice %arg4[%scan3A_44, %dma_wait3A_194, %add3A_193, %dma_wait3A_195, %dma_wait3A_196] : memref<50x8x128x8x128xf32, #tpu.memory_space<hbm>> -> memref<1x8x2x8x128xf32, #tpu.memory_space<hbm>>
        %dma_wait3A_198 = tpu.memref_squeeze %dma_wait3A_197 : memref<1x8x2x8x128xf32, #tpu.memory_space<hbm>> -> memref<8x2x8x128xf32, #tpu.memory_space<hbm>>
        %dma_wait3A_199 = arith.constant 0 : i32
        %dma_wait3A_200 = arith.constant 0 : i32
        %dma_wait3A_201 = arith.constant 0 : i32
        %dma_wait3A_202 = tpu.memref_slice %arg4[%scan3A_44, %dma_wait3A_199, %add3A_193, %dma_wait3A_200, %dma_wait3A_201] : memref<50x8x128x8x128xf32, #tpu.memory_space<hbm>> -> memref<1x8x2x8x128xf32, #tpu.memory_space<hbm>>
        %dma_wait3A_203 = tpu.memref_squeeze %dma_wait3A_202 : memref<1x8x2x8x128xf32, #tpu.memory_space<hbm>> -> memref<8x2x8x128xf32, #tpu.memory_space<hbm>>
        tpu.wait_dma2 semaphore(%arg12 : memref<!tpu.dma_semaphore, #tpu.memory_space<semaphore_mem>>) src(%arg8 : memref<8x2x8x128xf32, #tpu.memory_space<vmem>>) dst(%dma_wait3A_203 : memref<8x2x8x128xf32, #tpu.memory_space<hbm>>)
      } else {
      }
      %scan3A_170 = arith.constant 0 : i32
      %scan3A_171 = arith.constant 0 : i32
      %scan3A_172 = arith.constant 64 : i32
      %scan3A_173 = arith.addi %scan3A_171, %scan3A_172 : i32
      %scan3A_174 = arith.constant 1 : i32
      scf.for %scan3A_190 = %scan3A_171 to %scan3A_173 step %scan3A_174  : i32 {
        %jit3A = arith.constant 8 : i32
        %div3A = arith.divsi %scan3A_190, %jit3A : i32
        %sign3A = arith.constant 0 : i32
        %sign3A_191 = arith.cmpi sgt, %scan3A_190, %sign3A : i32
        %sign3A_192 = arith.extui %sign3A_191 : i1 to i32
        %sign3A_193 = arith.constant 0 : i32
        %sign3A_194 = arith.cmpi slt, %scan3A_190, %sign3A_193 : i32
        %sign3A_195 = arith.extui %sign3A_194 : i1 to i32
        %sign3A_196 = arith.subi %sign3A_192, %sign3A_195 : i32
        %sign3A_197 = arith.constant 0 : i32
        %sign3A_198 = arith.cmpi sgt, %jit3A, %sign3A_197 : i32
        %sign3A_199 = arith.extui %sign3A_198 : i1 to i32
        %sign3A_200 = arith.constant 0 : i32
        %sign3A_201 = arith.cmpi slt, %jit3A, %sign3A_200 : i32
        %sign3A_202 = arith.extui %sign3A_201 : i1 to i32
        %sign3A_203 = arith.subi %sign3A_199, %sign3A_202 : i32
        %ne3A = arith.cmpi ne, %sign3A_196, %sign3A_203 : i32
        %rem3A = arith.remsi %scan3A_190, %jit3A : i32
        %ne3A_204 = arith.constant 0 : i32
        %ne3A_205 = arith.cmpi ne, %rem3A, %ne3A_204 : i32
        %and3A = arith.andi %ne3A, %ne3A_205 : i1
        %sub3A = arith.constant 1 : i32
        %sub3A_206 = arith.subi %div3A, %sub3A : i32
        %select_n3A = arith.select %and3A, %sub3A_206, %div3A : i32
        %mul3A_207 = arith.constant 8 : i32
        %mul3A_208 = arith.muli %select_n3A, %mul3A_207 : i32
        %sub3A_209 = arith.subi %scan3A_190, %mul3A_208 : i32
        %add3A_210 = vector.broadcast %scan3A_190 : i32 to vector<16xi32>
        %add3A_211 = arith.addi %get3A_119, %add3A_210 : vector<16xi32>
        %gather3A = tpu.vector_load_idx %arg6[%add3A_211] : memref<65000xf32, #tpu.memory_space<vmem>>[vector<16xi32>], vector<16xf32>,
        %add3A_212 = vector.broadcast %scan3A_190 : i32 to vector<16xi32>
        %add3A_213 = arith.addi %get3A_122, %add3A_212 : vector<16xi32>
        %gather3A_214 = tpu.vector_load_idx %arg6[%add3A_213] : memref<65000xf32, #tpu.memory_space<vmem>>[vector<16xi32>], vector<16xf32>,
        %add3A_215 = vector.broadcast %scan3A_190 : i32 to vector<16xi32>
        %add3A_216 = arith.addi %get3A_125, %add3A_215 : vector<16xi32>
        %gather3A_217 = tpu.vector_load_idx %arg6[%add3A_216] : memref<65000xf32, #tpu.memory_space<vmem>>[vector<16xi32>], vector<16xf32>,
        %add3A_218 = vector.broadcast %scan3A_190 : i32 to vector<16xi32>
        %add3A_219 = arith.addi %get3A_128, %add3A_218 : vector<16xi32>
        %gather3A_220 = tpu.vector_load_idx %arg6[%add3A_219] : memref<65000xf32, #tpu.memory_space<vmem>>[vector<16xi32>], vector<16xf32>,
        %add3A_221 = vector.broadcast %scan3A_190 : i32 to vector<16xi32>
        %add3A_222 = arith.addi %get3A_131, %add3A_221 : vector<16xi32>
        %gather3A_223 = tpu.vector_load_idx %arg6[%add3A_222] : memref<65000xf32, #tpu.memory_space<vmem>>[vector<16xi32>], vector<16xf32>,
        %add3A_224 = vector.broadcast %scan3A_190 : i32 to vector<16xi32>
        %add3A_225 = arith.addi %get3A_134, %add3A_224 : vector<16xi32>
        %gather3A_226 = tpu.vector_load_idx %arg6[%add3A_225] : memref<65000xf32, #tpu.memory_space<vmem>>[vector<16xi32>], vector<16xf32>,
        %add3A_227 = vector.broadcast %scan3A_190 : i32 to vector<16xi32>
        %add3A_228 = arith.addi %get3A_137, %add3A_227 : vector<16xi32>
        %gather3A_229 = tpu.vector_load_idx %arg6[%add3A_228] : memref<65000xf32, #tpu.memory_space<vmem>>[vector<16xi32>], vector<16xf32>,
        %add3A_230 = vector.broadcast %scan3A_190 : i32 to vector<16xi32>
        %add3A_231 = arith.addi %get3A_140, %add3A_230 : vector<16xi32>
        %gather3A_232 = tpu.vector_load_idx %arg6[%add3A_231] : memref<65000xf32, #tpu.memory_space<vmem>>[vector<16xi32>], vector<16xf32>,
        %add3A_233 = vector.broadcast %scan3A_190 : i32 to vector<16xi32>
        %add3A_234 = arith.addi %get3A_143, %add3A_233 : vector<16xi32>
        %gather3A_235 = tpu.vector_load_idx %arg6[%add3A_234] : memref<65000xf32, #tpu.memory_space<vmem>>[vector<16xi32>], vector<16xf32>,
        %add3A_236 = vector.broadcast %scan3A_190 : i32 to vector<16xi32>
        %add3A_237 = arith.addi %get3A_146, %add3A_236 : vector<16xi32>
        %gather3A_238 = tpu.vector_load_idx %arg6[%add3A_237] : memref<65000xf32, #tpu.memory_space<vmem>>[vector<16xi32>], vector<16xf32>,
        %add3A_239 = vector.broadcast %scan3A_190 : i32 to vector<16xi32>
        %add3A_240 = arith.addi %get3A_149, %add3A_239 : vector<16xi32>
        %gather3A_241 = tpu.vector_load_idx %arg6[%add3A_240] : memref<65000xf32, #tpu.memory_space<vmem>>[vector<16xi32>], vector<16xf32>,
        %add3A_242 = vector.broadcast %scan3A_190 : i32 to vector<16xi32>
        %add3A_243 = arith.addi %get3A_152, %add3A_242 : vector<16xi32>
        %gather3A_244 = tpu.vector_load_idx %arg6[%add3A_243] : memref<65000xf32, #tpu.memory_space<vmem>>[vector<16xi32>], vector<16xf32>,
        %add3A_245 = vector.broadcast %scan3A_190 : i32 to vector<16xi32>
        %add3A_246 = arith.addi %get3A_155, %add3A_245 : vector<16xi32>
        %gather3A_247 = tpu.vector_load_idx %arg6[%add3A_246] : memref<65000xf32, #tpu.memory_space<vmem>>[vector<16xi32>], vector<16xf32>,
        %add3A_248 = vector.broadcast %scan3A_190 : i32 to vector<16xi32>
        %add3A_249 = arith.addi %get3A_158, %add3A_248 : vector<16xi32>
        %gather3A_250 = tpu.vector_load_idx %arg6[%add3A_249] : memref<65000xf32, #tpu.memory_space<vmem>>[vector<16xi32>], vector<16xf32>,
        %add3A_251 = vector.broadcast %scan3A_190 : i32 to vector<16xi32>
        %add3A_252 = arith.addi %get3A_161, %add3A_251 : vector<16xi32>
        %gather3A_253 = tpu.vector_load_idx %arg6[%add3A_252] : memref<65000xf32, #tpu.memory_space<vmem>>[vector<16xi32>], vector<16xf32>,
        %add3A_254 = vector.broadcast %scan3A_190 : i32 to vector<16xi32>
        %add3A_255 = arith.addi %get3A_164, %add3A_254 : vector<16xi32>
        %gather3A_256 = tpu.vector_load_idx %arg6[%add3A_255] : memref<65000xf32, #tpu.memory_space<vmem>>[vector<16xi32>], vector<16xf32>,
        %swap3A = arith.constant 0 : i32
        %swap3A_257 = arith.index_cast %select_n3A : i32 to index
        %swap3A_258 = arith.index_cast %swap3A : i32 to index
        %swap3A_259 = arith.index_cast %sub3A_209 : i32 to index
        %swap3A_260 = arith.constant 0 : index
        %swap3A_261 = tpu.vector_load %arg8[%swap3A_257, %swap3A_258, %swap3A_259, %swap3A_260] {strides = array<i32>} : memref<8x2x8x128xf32, #tpu.memory_space<vmem>>, vector<16xf32>,
        tpu.vector_store %arg8[%swap3A_257, %swap3A_258, %swap3A_259, %swap3A_260], %gather3A {strides = array<i32>} : memref<8x2x8x128xf32, #tpu.memory_space<vmem>>, vector<16xf32>,
        %swap3A_262 = arith.constant 0 : i32
        %swap3A_263 = arith.index_cast %select_n3A : i32 to index
        %swap3A_264 = arith.index_cast %swap3A_262 : i32 to index
        %swap3A_265 = arith.index_cast %sub3A_209 : i32 to index
        %swap3A_266 = arith.constant 16 : index
        %swap3A_267 = tpu.vector_load %arg8[%swap3A_263, %swap3A_264, %swap3A_265, %swap3A_266] {strides = array<i32>} : memref<8x2x8x128xf32, #tpu.memory_space<vmem>>, vector<16xf32>,
        tpu.vector_store %arg8[%swap3A_263, %swap3A_264, %swap3A_265, %swap3A_266], %gather3A_214 {strides = array<i32>} : memref<8x2x8x128xf32, #tpu.memory_space<vmem>>, vector<16xf32>,
        %swap3A_268 = arith.constant 0 : i32
        %swap3A_269 = arith.index_cast %select_n3A : i32 to index
        %swap3A_270 = arith.index_cast %swap3A_268 : i32 to index
        %swap3A_271 = arith.index_cast %sub3A_209 : i32 to index
        %swap3A_272 = arith.constant 32 : index
        %swap3A_273 = tpu.vector_load %arg8[%swap3A_269, %swap3A_270, %swap3A_271, %swap3A_272] {strides = array<i32>} : memref<8x2x8x128xf32, #tpu.memory_space<vmem>>, vector<16xf32>,
        tpu.vector_store %arg8[%swap3A_269, %swap3A_270, %swap3A_271, %swap3A_272], %gather3A_217 {strides = array<i32>} : memref<8x2x8x128xf32, #tpu.memory_space<vmem>>, vector<16xf32>,
        %swap3A_274 = arith.constant 0 : i32
        %swap3A_275 = arith.index_cast %select_n3A : i32 to index
        %swap3A_276 = arith.index_cast %swap3A_274 : i32 to index
        %swap3A_277 = arith.index_cast %sub3A_209 : i32 to index
        %swap3A_278 = arith.constant 48 : index
        %swap3A_279 = tpu.vector_load %arg8[%swap3A_275, %swap3A_276, %swap3A_277, %swap3A_278] {strides = array<i32>} : memref<8x2x8x128xf32, #tpu.memory_space<vmem>>, vector<16xf32>,
        tpu.vector_store %arg8[%swap3A_275, %swap3A_276, %swap3A_277, %swap3A_278], %gather3A_220 {strides = array<i32>} : memref<8x2x8x128xf32, #tpu.memory_space<vmem>>, vector<16xf32>,
        %swap3A_280 = arith.constant 0 : i32
        %swap3A_281 = arith.index_cast %select_n3A : i32 to index
        %swap3A_282 = arith.index_cast %swap3A_280 : i32 to index
        %swap3A_283 = arith.index_cast %sub3A_209 : i32 to index
        %swap3A_284 = arith.constant 64 : index
        %swap3A_285 = tpu.vector_load %arg8[%swap3A_281, %swap3A_282, %swap3A_283, %swap3A_284] {strides = array<i32>} : memref<8x2x8x128xf32, #tpu.memory_space<vmem>>, vector<16xf32>,
        tpu.vector_store %arg8[%swap3A_281, %swap3A_282, %swap3A_283, %swap3A_284], %gather3A_223 {strides = array<i32>} : memref<8x2x8x128xf32, #tpu.memory_space<vmem>>, vector<16xf32>,
        %swap3A_286 = arith.constant 0 : i32
        %swap3A_287 = arith.index_cast %select_n3A : i32 to index
        %swap3A_288 = arith.index_cast %swap3A_286 : i32 to index
        %swap3A_289 = arith.index_cast %sub3A_209 : i32 to index
        %swap3A_290 = arith.constant 80 : index
        %swap3A_291 = tpu.vector_load %arg8[%swap3A_287, %swap3A_288, %swap3A_289, %swap3A_290] {strides = array<i32>} : memref<8x2x8x128xf32, #tpu.memory_space<vmem>>, vector<16xf32>,
        tpu.vector_store %arg8[%swap3A_287, %swap3A_288, %swap3A_289, %swap3A_290], %gather3A_226 {strides = array<i32>} : memref<8x2x8x128xf32, #tpu.memory_space<vmem>>, vector<16xf32>,
        %swap3A_292 = arith.constant 0 : i32
        %swap3A_293 = arith.index_cast %select_n3A : i32 to index
        %swap3A_294 = arith.index_cast %swap3A_292 : i32 to index
        %swap3A_295 = arith.index_cast %sub3A_209 : i32 to index
        %swap3A_296 = arith.constant 96 : index
        %swap3A_297 = tpu.vector_load %arg8[%swap3A_293, %swap3A_294, %swap3A_295, %swap3A_296] {strides = array<i32>} : memref<8x2x8x128xf32, #tpu.memory_space<vmem>>, vector<16xf32>,
        tpu.vector_store %arg8[%swap3A_293, %swap3A_294, %swap3A_295, %swap3A_296], %gather3A_229 {strides = array<i32>} : memref<8x2x8x128xf32, #tpu.memory_space<vmem>>, vector<16xf32>,
        %swap3A_298 = arith.constant 0 : i32
        %swap3A_299 = arith.index_cast %select_n3A : i32 to index
        %swap3A_300 = arith.index_cast %swap3A_298 : i32 to index
        %swap3A_301 = arith.index_cast %sub3A_209 : i32 to index
        %swap3A_302 = arith.constant 112 : index
        %swap3A_303 = tpu.vector_load %arg8[%swap3A_299, %swap3A_300, %swap3A_301, %swap3A_302] {strides = array<i32>} : memref<8x2x8x128xf32, #tpu.memory_space<vmem>>, vector<16xf32>,
        tpu.vector_store %arg8[%swap3A_299, %swap3A_300, %swap3A_301, %swap3A_302], %gather3A_232 {strides = array<i32>} : memref<8x2x8x128xf32, #tpu.memory_space<vmem>>, vector<16xf32>,
        %swap3A_304 = arith.constant 1 : i32
        %swap3A_305 = arith.index_cast %select_n3A : i32 to index
        %swap3A_306 = arith.index_cast %swap3A_304 : i32 to index
        %swap3A_307 = arith.index_cast %sub3A_209 : i32 to index
        %swap3A_308 = arith.constant 0 : index
        %swap3A_309 = tpu.vector_load %arg8[%swap3A_305, %swap3A_306, %swap3A_307, %swap3A_308] {strides = array<i32>} : memref<8x2x8x128xf32, #tpu.memory_space<vmem>>, vector<16xf32>,
        tpu.vector_store %arg8[%swap3A_305, %swap3A_306, %swap3A_307, %swap3A_308], %gather3A_235 {strides = array<i32>} : memref<8x2x8x128xf32, #tpu.memory_space<vmem>>, vector<16xf32>,
        %swap3A_310 = arith.constant 1 : i32
        %swap3A_311 = arith.index_cast %select_n3A : i32 to index
        %swap3A_312 = arith.index_cast %swap3A_310 : i32 to index
        %swap3A_313 = arith.index_cast %sub3A_209 : i32 to index
        %swap3A_314 = arith.constant 16 : index
        %swap3A_315 = tpu.vector_load %arg8[%swap3A_311, %swap3A_312, %swap3A_313, %swap3A_314] {strides = array<i32>} : memref<8x2x8x128xf32, #tpu.memory_space<vmem>>, vector<16xf32>,
        tpu.vector_store %arg8[%swap3A_311, %swap3A_312, %swap3A_313, %swap3A_314], %gather3A_238 {strides = array<i32>} : memref<8x2x8x128xf32, #tpu.memory_space<vmem>>, vector<16xf32>,
        %swap3A_316 = arith.constant 1 : i32
        %swap3A_317 = arith.index_cast %select_n3A : i32 to index
        %swap3A_318 = arith.index_cast %swap3A_316 : i32 to index
        %swap3A_319 = arith.index_cast %sub3A_209 : i32 to index
        %swap3A_320 = arith.constant 32 : index
        %swap3A_321 = tpu.vector_load %arg8[%swap3A_317, %swap3A_318, %swap3A_319, %swap3A_320] {strides = array<i32>} : memref<8x2x8x128xf32, #tpu.memory_space<vmem>>, vector<16xf32>,
        tpu.vector_store %arg8[%swap3A_317, %swap3A_318, %swap3A_319, %swap3A_320], %gather3A_241 {strides = array<i32>} : memref<8x2x8x128xf32, #tpu.memory_space<vmem>>, vector<16xf32>,
        %swap3A_322 = arith.constant 1 : i32
        %swap3A_323 = arith.index_cast %select_n3A : i32 to index
        %swap3A_324 = arith.index_cast %swap3A_322 : i32 to index
        %swap3A_325 = arith.index_cast %sub3A_209 : i32 to index
        %swap3A_326 = arith.constant 48 : index
        %swap3A_327 = tpu.vector_load %arg8[%swap3A_323, %swap3A_324, %swap3A_325, %swap3A_326] {strides = array<i32>} : memref<8x2x8x128xf32, #tpu.memory_space<vmem>>, vector<16xf32>,
        tpu.vector_store %arg8[%swap3A_323, %swap3A_324, %swap3A_325, %swap3A_326], %gather3A_244 {strides = array<i32>} : memref<8x2x8x128xf32, #tpu.memory_space<vmem>>, vector<16xf32>,
        %swap3A_328 = arith.constant 1 : i32
        %swap3A_329 = arith.index_cast %select_n3A : i32 to index
        %swap3A_330 = arith.index_cast %swap3A_328 : i32 to index
        %swap3A_331 = arith.index_cast %sub3A_209 : i32 to index
        %swap3A_332 = arith.constant 64 : index
        %swap3A_333 = tpu.vector_load %arg8[%swap3A_329, %swap3A_330, %swap3A_331, %swap3A_332] {strides = array<i32>} : memref<8x2x8x128xf32, #tpu.memory_space<vmem>>, vector<16xf32>,
        tpu.vector_store %arg8[%swap3A_329, %swap3A_330, %swap3A_331, %swap3A_332], %gather3A_247 {strides = array<i32>} : memref<8x2x8x128xf32, #tpu.memory_space<vmem>>, vector<16xf32>,
        %swap3A_334 = arith.constant 1 : i32
        %swap3A_335 = arith.index_cast %select_n3A : i32 to index
        %swap3A_336 = arith.index_cast %swap3A_334 : i32 to index
        %swap3A_337 = arith.index_cast %sub3A_209 : i32 to index
        %swap3A_338 = arith.constant 80 : index
        %swap3A_339 = tpu.vector_load %arg8[%swap3A_335, %swap3A_336, %swap3A_337, %swap3A_338] {strides = array<i32>} : memref<8x2x8x128xf32, #tpu.memory_space<vmem>>, vector<16xf32>,
        tpu.vector_store %arg8[%swap3A_335, %swap3A_336, %swap3A_337, %swap3A_338], %gather3A_250 {strides = array<i32>} : memref<8x2x8x128xf32, #tpu.memory_space<vmem>>, vector<16xf32>,
        %swap3A_340 = arith.constant 1 : i32
        %swap3A_341 = arith.index_cast %select_n3A : i32 to index
        %swap3A_342 = arith.index_cast %swap3A_340 : i32 to index
        %swap3A_343 = arith.index_cast %sub3A_209 : i32 to index
        %swap3A_344 = arith.constant 96 : index
        %swap3A_345 = tpu.vector_load %arg8[%swap3A_341, %swap3A_342, %swap3A_343, %swap3A_344] {strides = array<i32>} : memref<8x2x8x128xf32, #tpu.memory_space<vmem>>, vector<16xf32>,
        tpu.vector_store %arg8[%swap3A_341, %swap3A_342, %swap3A_343, %swap3A_344], %gather3A_253 {strides = array<i32>} : memref<8x2x8x128xf32, #tpu.memory_space<vmem>>, vector<16xf32>,
        %swap3A_346 = arith.constant 1 : i32
        %swap3A_347 = arith.index_cast %select_n3A : i32 to index
        %swap3A_348 = arith.index_cast %swap3A_346 : i32 to index
        %swap3A_349 = arith.index_cast %sub3A_209 : i32 to index
        %swap3A_350 = arith.constant 112 : index
        %swap3A_351 = tpu.vector_load %arg8[%swap3A_347, %swap3A_348, %swap3A_349, %swap3A_350] {strides = array<i32>} : memref<8x2x8x128xf32, #tpu.memory_space<vmem>>, vector<16xf32>,
        tpu.vector_store %arg8[%swap3A_347, %swap3A_348, %swap3A_349, %swap3A_350], %gather3A_256 {strides = array<i32>} : memref<8x2x8x128xf32, #tpu.memory_space<vmem>>, vector<16xf32>,
      }
      %scan3A_175 = arith.constant 64 : i32
      %mul3A_176 = arith.constant 4 : i32
      %mul3A_177 = arith.muli %mul3A_176, %add3A : i32
      %add3A_178 = arith.constant 2 : i32
      %add3A_179 = arith.addi %mul3A_177, %add3A_178 : i32
      %dma_start3A_180 = arith.constant 0 : i32
      %dma_start3A_181 = arith.constant 0 : i32
      %dma_start3A_182 = arith.constant 0 : i32
      %dma_start3A_183 = tpu.memref_slice %arg4[%scan3A_44, %dma_start3A_180, %add3A_179, %dma_start3A_181, %dma_start3A_182] : memref<50x8x128x8x128xf32, #tpu.memory_space<hbm>> -> memref<1x8x2x8x128xf32, #tpu.memory_space<hbm>>
      %dma_start3A_184 = tpu.memref_squeeze %dma_start3A_183 : memref<1x8x2x8x128xf32, #tpu.memory_space<hbm>> -> memref<8x2x8x128xf32, #tpu.memory_space<hbm>>
      %dma_start3A_185 = arith.constant 0 : i32
      %dma_start3A_186 = arith.constant 0 : i32
      %dma_start3A_187 = arith.constant 0 : i32
      %dma_start3A_188 = tpu.memref_slice %arg4[%scan3A_44, %dma_start3A_185, %add3A_179, %dma_start3A_186, %dma_start3A_187] : memref<50x8x128x8x128xf32, #tpu.memory_space<hbm>> -> memref<1x8x2x8x128xf32, #tpu.memory_space<hbm>>
      %dma_start3A_189 = tpu.memref_squeeze %dma_start3A_188 : memref<1x8x2x8x128xf32, #tpu.memory_space<hbm>> -> memref<8x2x8x128xf32, #tpu.memory_space<hbm>>
      tpu.enqueue_dma source(%arg8 : memref<8x2x8x128xf32, #tpu.memory_space<vmem>>) target(%dma_start3A_189 : memref<8x2x8x128xf32, #tpu.memory_space<hbm>>) target_semaphore(%arg12 : memref<!tpu.dma_semaphore, #tpu.memory_space<semaphore_mem>>)
    }
    %scan3A_13 = arith.constant 50 : i32
    %mul3A_14 = arith.constant 4 : i32
    %mul3A_15 = arith.muli %mul3A_14, %add3A : i32
    %add3A_16 = arith.constant 0 : i32
    %add3A_17 = arith.addi %mul3A_15, %add3A_16 : i32
    %dma_wait3A_18 = arith.constant 49 : i32
    %dma_wait3A_19 = arith.constant 0 : i32
    %dma_wait3A_20 = arith.constant 0 : i32
    %dma_wait3A_21 = arith.constant 0 : i32
    %dma_wait3A_22 = tpu.memref_slice %arg4[%dma_wait3A_18, %dma_wait3A_19, %add3A_17, %dma_wait3A_20, %dma_wait3A_21] : memref<50x8x128x8x128xf32, #tpu.memory_space<hbm>> -> memref<1x8x2x8x128xf32, #tpu.memory_space<hbm>>
    %dma_wait3A_23 = tpu.memref_squeeze %dma_wait3A_22 : memref<1x8x2x8x128xf32, #tpu.memory_space<hbm>> -> memref<8x2x8x128xf32, #tpu.memory_space<hbm>>
    %dma_wait3A_24 = arith.constant 0 : i32
    %dma_wait3A_25 = arith.constant 0 : i32
    %dma_wait3A_26 = arith.constant 0 : i32
    %dma_wait3A_27 = tpu.memref_slice %arg4[%dma_wait3A_18, %dma_wait3A_24, %add3A_17, %dma_wait3A_25, %dma_wait3A_26] : memref<50x8x128x8x128xf32, #tpu.memory_space<hbm>> -> memref<1x8x2x8x128xf32, #tpu.memory_space<hbm>>
    %dma_wait3A_28 = tpu.memref_squeeze %dma_wait3A_27 : memref<1x8x2x8x128xf32, #tpu.memory_space<hbm>> -> memref<8x2x8x128xf32, #tpu.memory_space<hbm>>
    tpu.wait_dma2 semaphore(%arg11 : memref<!tpu.dma_semaphore, #tpu.memory_space<semaphore_mem>>) src(%arg7 : memref<8x2x8x128xf32, #tpu.memory_space<vmem>>) dst(%dma_wait3A_28 : memref<8x2x8x128xf32, #tpu.memory_space<hbm>>)
    %mul3A_29 = arith.constant 4 : i32
    %mul3A_30 = arith.muli %mul3A_29, %add3A : i32
    %add3A_31 = arith.constant 2 : i32
    %add3A_32 = arith.addi %mul3A_30, %add3A_31 : i32
    %dma_wait3A_33 = arith.constant 49 : i32
    %dma_wait3A_34 = arith.constant 0 : i32
    %dma_wait3A_35 = arith.constant 0 : i32
    %dma_wait3A_36 = arith.constant 0 : i32
    %dma_wait3A_37 = tpu.memref_slice %arg4[%dma_wait3A_33, %dma_wait3A_34, %add3A_32, %dma_wait3A_35, %dma_wait3A_36] : memref<50x8x128x8x128xf32, #tpu.memory_space<hbm>> -> memref<1x8x2x8x128xf32, #tpu.memory_space<hbm>>
    %dma_wait3A_38 = tpu.memref_squeeze %dma_wait3A_37 : memref<1x8x2x8x128xf32, #tpu.memory_space<hbm>> -> memref<8x2x8x128xf32, #tpu.memory_space<hbm>>
    %dma_wait3A_39 = arith.constant 0 : i32
    %dma_wait3A_40 = arith.constant 0 : i32
    %dma_wait3A_41 = arith.constant 0 : i32
    %dma_wait3A_42 = tpu.memref_slice %arg4[%dma_wait3A_33, %dma_wait3A_39, %add3A_32, %dma_wait3A_40, %dma_wait3A_41] : memref<50x8x128x8x128xf32, #tpu.memory_space<hbm>> -> memref<1x8x2x8x128xf32, #tpu.memory_space<hbm>>
    %dma_wait3A_43 = tpu.memref_squeeze %dma_wait3A_42 : memref<1x8x2x8x128xf32, #tpu.memory_space<hbm>> -> memref<8x2x8x128xf32, #tpu.memory_space<hbm>>
    tpu.wait_dma2 semaphore(%arg12 : memref<!tpu.dma_semaphore, #tpu.memory_space<semaphore_mem>>) src(%arg8 : memref<8x2x8x128xf32, #tpu.memory_space<vmem>>) dst(%dma_wait3A_43 : memref<8x2x8x128xf32, #tpu.memory_space<hbm>>)
    return
  }
}

</mosaic_0001>

<sc_bundles>
// kernel: kernel.3.cloned.1.call-start
scs
__scs_entry_jumppad:
0x0: {  	(pc) =	sbr.rel $0x88, $3  }
0x1: {  	(tag) =	ssettag $0x0;
	lr =	simm.s32 $0x1  }
0x2: {  	[smem:$0x3F9F] =	sst lr;
	_ =	strace $0xD0000000  }
0x3: {  	_ = 	snop  }
0x4: {  	_ = 	snop  }
0x5: {  	_ = 	snop  }
0x6: {  	_ = 	snop  }
0x7: {  	_ = 	snop  }
__scs_overlays_trampoline_lowered:
0x8: {  	[smem:$0x3FAE] =	sst s0  }
0x9: {  	[smem:$0x3FAF] =	sst s1  }
0xa: {  	[smem:$0x3FB0] =	sst s2  }
0xb: {  	[smem:$0x3FB1] =	sst s3  }
0xc: {  	[smem:$0x3FB2] =	sst s4  }
0xd: {  	[smem:$0x3FB3] =	sst s5  }
0xe: {  	[smem:$0x3FB4] =	sst s6  }
0xf: {  	[smem:$0x3FB5] =	sst s7  }
0x10: {  	[smem:$0x3FB6] =	sst s8  }
0x11: {  	[smem:$0x3FB7] =	sst s9;
	s0 =	simm.s32 @!p0 $0x0  }
0x12: {  	s1 =	sld [smem:$0x3F9D];
	s0 =	simm.s32 @p0 $0x1  }
0x13: {  	[smem:$0x3FB8] =	sst s0;
	s0 =	simm.s32 @!p1 $0x0  }
0x14: {  	s2 =	sld [smem:$0x3F9C];
	s0 =	simm.s32 @p1 $0x1  }
0x15: {  	[smem:$0x3FB9] =	sst s0;
	s0 =	simm.s32 @!p2 $0x0  }
0x16: {  	s3 =	sld [smem:$0x3FDB];
	s0 =	simm.s32 @p2 $0x1  }
0x17: {  	s4 =	simm.s32 $0x1BF5;
	[smem:$0x3FBB] =	sst s0  }
0x18: {  	s0 =	sld [smem:$0x3F9E];
	_ =	swait.ge [sflag:s4], $0x0  }
0x19: {  	s7 =	sld [smem:$0x3F9F]  }
0x1a: {  	s8 =	sadd.s32 $0xFFFFE003, lr  }
0x1b: {  	s9 =	sadd.s32 $0xFFFFFEF7, lr;
	s5 =	simm.s32 $0xFFFFFFFF;
	p2 =	slt.u32 s8, $0xFFFFF086  }
0x1c: {  	p1 =	slt.u32 s9, $0xF7A;
	s5 =	simm.s32 @!p2 $0x0  }
0x1d: {  	s5 =	simm.s32 @p1 $0x1;
	p0 =	seq.s32 s7, s2  }
0x1e: {  	s7 =	smul.u32 @!p0 $0xF7A, s2;
	p2 =	seq.s32 @!p0 s5, $0x0  }
0x1f: {  	s9 =	smul.u32 $0xF7A, s1;
	s8 =	simm.s32 @!p0 $0x1BF5;
	p2 =	por !p2, p0  }
0x20: {  	[sflag:s8] =	ssyncset.s32 @!p0 $0xFFFFF086;
	s6 =	sadd.s32 @!p0 s3, s7;
	s7 =	simm.s32 @!p0 $0x108  }
0x21: {  	s3 =	sadd.s32 s3, s9;
	s6 =	sadd.s32 @!p0 $0x88, s6;
	s7 =	simm.s32 @p2 $0x1082  }
0x22: {  	[simem:s7], [sflag:s8] =	dma.local @!p0 [hbm:s6], $0xF7A  }
0x23: {  	s9 =	sor.u32 $0xD0000000, s2;
	s6 =	simm.s32 $0x108;
	_ =	swait.ge @!p0 [sflag:s8], $0x0  }
0x24: {  	s3 =	sadd.s32 $0x88, s3;
	s6 =	simm.s32 @!p1 $0x1082;
	[sflag:s4] =	ssyncset.s32 $0xFFFFF086  }
0x25: {  	[simem:s6], [sflag:s4] =	dma.local [hbm:s3], $0xF7A  }
0x26: {  	[smem:$0x3F9F] =	sst s1;
	(tag) =	ssettag s2;
	_ =	strace s9  }
0x27: {  	s1 =	sld [smem:$0x3FAF]  }
0x28: {  	s2 =	sld [smem:$0x3FB0]  }
0x29: {  	s4 =	sld [smem:$0x3FB2]  }
0x2a: {  	p0 =	seq.s32 s5, $0x0;
	s5 =	sld [smem:$0x3FB3]  }
0x2b: {  	s6 =	sld [smem:$0x3FB4]  }
0x2c: {  	s7 =	sld [smem:$0x3FB5]  }
0x2d: {  	s3 =	simm.s32 $0x108;
	s8 =	sld [smem:$0x3FB6]  }
0x2e: {  	s3 =	simm.s32 @!p0 $0x1082;
	s9 =	sld [smem:$0x3FB7]  }
0x2f: {  	lr =	sadd.s32 s0, s3;
	s0 =	sld [smem:$0x3FAE]  }
0x30: {  	s3 =	sld [smem:$0x3FB1]  }
0x31: {  	[smem:$0x3FBA] =	sst s10  }
0x32: {  	s10 =	sld [smem:$0x3FB8];
	_ =	sdelay $0x3  }
0x33: {  	p0 =	seq.s32 s10, $0x1;
	s10 =	sld [smem:$0x3FBA];
	_ =	sdelay $0x3  }
0x34: {  	[smem:$0x3FBA] =	sst s10  }
0x35: {  	s10 =	sld [smem:$0x3FB9];
	_ =	sdelay $0x3  }
0x36: {  	p1 =	seq.s32 s10, $0x1;
	s10 =	sld [smem:$0x3FBA];
	_ =	sdelay $0x3  }
0x37: {  	[smem:$0x3FBA] =	sst s10  }
0x38: {  	s10 =	sld [smem:$0x3FBB]  }
0x39: {  	_ = 	snop;
	(pc) =	sbr.ind lr, $3  }
0x3a: {  	_ = 	snop  }
0x3b: {  	_ = 	snop  }
0x3c: {  	p2 =	seq.s32 s10, $0x1;
	s10 =	sld [smem:$0x3FBA]  }
0x3d: {  	_ =	shalt  }
0x3e: {  	_ =	shalt  }
0x3f: {  	_ =	shalt  }
0x40: {  	_ =	shalt  }
0x41: {  	_ =	shalt  }
0x42: {  	_ =	shalt  }
0x43: {  	_ =	shalt  }
0x44: {  	_ =	shalt  }
0x45: {  	_ =	shalt  }
0x46: {  	_ =	shalt  }
0x47: {  	_ =	shalt  }
0x48: {  	_ =	shalt  }
0x49: {  	_ =	shalt  }
0x4a: {  	_ =	shalt  }
0x4b: {  	_ =	shalt  }
0x4c: {  	_ =	shalt  }
0x4d: {  	_ =	shalt  }
0x4e: {  	_ =	shalt  }
0x4f: {  	_ =	shalt  }
0x50: {  	_ =	shalt  }
0x51: {  	_ =	shalt  }
0x52: {  	_ =	shalt  }
0x53: {  	_ =	shalt  }
0x54: {  	_ =	shalt  }
0x55: {  	_ =	shalt  }
0x56: {  	_ =	shalt  }
0x57: {  	_ =	shalt  }
0x58: {  	_ =	shalt  }
0x59: {  	_ =	shalt  }
0x5a: {  	_ =	shalt  }
0x5b: {  	_ =	shalt  }
0x5c: {  	_ =	shalt  }
0x5d: {  	_ =	shalt  }
0x5e: {  	_ =	shalt  }
0x5f: {  	_ =	shalt  }
0x60: {  	_ =	shalt  }
0x61: {  	_ =	shalt  }
0x62: {  	_ =	shalt  }
0x63: {  	_ =	shalt  }
0x64: {  	_ =	shalt  }
0x65: {  	_ =	shalt  }
0x66: {  	_ =	shalt  }
0x67: {  	_ =	shalt  }
0x68: {  	_ =	shalt  }
0x69: {  	_ =	shalt  }
0x6a: {  	_ =	shalt  }
0x6b: {  	_ =	shalt  }
0x6c: {  	_ =	shalt  }
0x6d: {  	_ =	shalt  }
0x6e: {  	_ =	shalt  }
0x6f: {  	_ =	shalt  }
0x70: {  	_ =	shalt  }
0x71: {  	_ =	shalt  }
0x72: {  	_ =	shalt  }
0x73: {  	_ =	shalt  }
0x74: {  	_ =	shalt  }
0x75: {  	_ =	shalt  }
0x76: {  	_ =	shalt  }
0x77: {  	_ =	shalt  }
0x78: {  	_ =	shalt  }
0x79: {  	_ =	shalt  }
0x7a: {  	_ =	shalt  }
0x7b: {  	_ =	shalt  }
0x7c: {  	_ =	shalt  }
0x7d: {  	_ =	shalt  }
0x7e: {  	_ =	shalt  }
0x7f: {  	_ =	shalt  }
0x80: {  	_ =	shalt  }
0x81: {  	_ =	shalt  }
0x82: {  	_ =	shalt  }
0x83: {  	_ =	shalt  }
0x84: {  	_ =	shalt  }
0x85: {  	_ =	shalt  }
0x86: {  	_ =	shalt  }
0x87: {  	_ =	shalt  }
.Lfunc_end0:
.L_simem_size_0:
called_computation_lowered:
.L_overlay_start_0:
0x88: {  	s2 =	sld [smem:$0x3FD9]  }
0x89: {  	s3 =	sld [smem:$0x3FFE];
	_ =	sdelay $0x1  }
0x8a: {  	s1 =	srdreg.scid  }
0x8b: {  	s0 =	sand.u32 $0x1, s1  }
0x8c: {  	s17 =	sshll.u32 s0, $0xA;
	s2 =	sadd.s32 s3, s2  }
0x8d: {  	s2 =	sadd.s32 s2, s17  }
0x8e: {  	[smem:$0x3FC6] =	sst s2  }
0x8f: {  	_ = 	snop  }
0x90: {  	s2 =	sld [smem:$0x3FD0];
	(tm) =	ssettm $0x1  }
0x91: {  	s18 =	sld [smem:$0x3FFB];
	_ =	sdelay $0x3  }
0x92: {  	_ =	strace s18  }
0x93: {  	s3 =	sld [smem:$0x3FFC];
	_ =	sdelay $0x3  }
0x94: {  	_ =	strace s3  }
0x95: {  	s3 =	sld [smem:$0x3FFD];
	_ =	sdelay $0x3  }
0x96: {  	_ =	strace s3  }
0x97: {  	_ =	strace $0x8FFFFFFF  }
0x98: {  	s19 =	sld [smem:$0x3FDB];
	_ =	sdelay $0x1  }
0x99: {  	s4 =	simm.s32 $_scs_section_size  }
0x9a: {  	s5 =	simm.s32 $_size__tile_overlayer_lowered;
	s6 =	simm.s32 $_tile_overlayer_lowered  }
0x9b: {  	s22 =	simm.s32 $0x1BFF;
	s21 =	sshll.u32 s6, $0x1;
	s3 =	sadd.s32 s4, s19  }
0x9c: {  	s7 =	simm.s32 $0x0;
	s20 =	sshll.u32 s5, $0x1;
	s5 =	sadd.s32 s21, s3  }
0x9d: {  	[timem:s7], [sflag:s22] =	dma.local [hbm:s5], s20  }
0x9e: {  	_ =	swait.ge [sflag:s22], s20  }
0x9f: {  	s4 =	ssub.s32 $0x0, s20;
	[sflag:s22] =	ssyncset.done $0x0  }
0xa0: {  	[sflag:s22] =	ssyncadd.s32 s4;
	_ =	sdelay $0x1  }
0xa1: {  	s23 =	simm.s32 $0x1B8B  }
0xa2: {  	_ =	swait.ge [sflag:s23], $0x1  }
0xa3: {  	[sflag:s23] =	ssyncset.done $0x0  }
0xa4: {  	s25 =	simm.s32 $0x1B8E;
	s24 =	sld [smem:$0x3FFE];
	[sflag:s23] =	ssyncadd.s32 $0xFFFFFFFF  }
0xa5: {  	s26 =	simm.s32 $execute0_lowered;
	[smem:$0x3FD2] =	sst s25  }
0xa6: {  	s5 =	sshll.u32 s26, $0x1;
	_ =	strace $0x80000046;
	[dreg:$0x1] =	wrdreg $0xFFFFFFFF  }
0xa7: {  	s28 =	simm.s32 $_size_execute0_lowered;
	s3 =	sadd.s32 s3, s5;
	[dreg:$0x0] =	wrdreg $0x0  }
0xa8: {  	s5 =	sshll.u32 s28, $0x1;
	[dreg:$0x2] =	wrdreg s3  }
0xa9: {  	[dreg:$0x3] =	wrdreg s5  }
0xaa: {  	[dreg:$0x4] =	wrdreg $0xC0  }
0xab: {  	_ =	task [dreg:s7], $0x5FFFF  }
0xac: {  	[dreg:$0x1] =	wrdreg $0xFFFFFFFF  }
0xad: {  	[dreg:$0x0] =	wrdreg $0x60  }
0xae: {  	[dreg:$0x2] =	wrdreg s24  }
0xaf: {  	[dreg:$0x3] =	wrdreg s2  }
0xb0: {  	[dreg:$0x4] =	wrdreg $0x9  }
0xb1: {  	_ =	task.clear_ibuf [dreg:s7], $0x5FFFF;
	_ =	strace $0x90000046  }
0xb2: {  	s29 =	simm.s32 $0x9;
	_ =	strace $0x80000048  }
0xb3: {  	_ =	swait.ge [sflag:s29], $0x1  }
0xb4: {  	[sflag:s29] =	ssyncadd.s32 $0xFFFFFFFF  }
0xb5: {  	_ =	strace $0x90000048  }
0xb6: {  	_ =	sfence  }
0xb7: {  	s30 =	sld [smem:$0x0];
	_ =	sdelay $0x2  }
0xb8: {  	s31 =	sshll.u32 s1, $0xD;
	s1 =	sshrl.u32 s1, $0x2  }
0xb9: {  	s3 =	sand.u32 $0x4000, s31;
	s1 =	sadd.s32 s1, s30  }
0xba: {  	s0 =	sor.u32 s3, s0;
	s1 =	sshll.u32 s1, $0x11  }
0xbb: {  	s0 =	sor.u32 s1, s0  }
0xbc: {  	s0 =	sadd.s32 $0x8F2B, s0  }
0xbd: {  	[sflag:s0] =	ssyncadd.remote.s32 $0x1  }
0xbe: {  	_ =	sfence.sel $0xFFFF  }
0xbf: {  	[dreg:$0x0] =	wrdreg $0xFFFFFFFF;
	(pc) =	sbr.abs _section_cstart, $3  }
0xc0: {  	[dreg:$0x1] =	wrdreg $0xFFFFFFFF  }
0xc1: {  	_ =	task.clear_ibuf [dreg:s7], $0x2FFFF;
	_ =	strace $0x9FFFFFFF  }
0xc2: {  	(tm) =	ssettm $0x7FFFFFFF  }
0xc3: {  	_ =	shalt  }
tec
execute0_lowered:
.L_overlay_start_1:
0x0: {  	(tag) =	ssettag $0x1  }
0x1: {  	s4 =	rddreg [dreg:$0x0]  }
0x2: {  	s1 =	srdreg.scid;
	s0 =	stileid.u32  }
0x3: {  	s2 =	rddreg [dreg:$0x1];
	s3 =	simm.s32 $0x0;
	s9 =	simm.s32 $0x200  }
0x4: {  	s10 =	simm.s32 $0x4000;
	s11 =	simm.s32 $0x6400;
	s12 =	simm.s32 $0x1  }
0x5: {  	s13 =	simm.s32 $0x2;
	s14 =	simm.s32 $0x800;
	s15 =	simm.s32 $0x20000  }
0x6: {  	s16 =	simm.s32 $0x161E8;
	s17 =	simm.s32 $0x1A1E8;
	s18 =	simm.s32 $0x3  }
0x7: {  	s19 =	simm.s32 $0x4;
	s5 =	sand.u32 $0x1, s1;
	s6 =	sshll.u32 s0, $0x1  }
0x8: {  	s20 =	simm.s32 $0x0;
	s1 =	rddreg [dreg:$0x2];
	s6 =	sor.u32 s5, s6  }
0x9: {  	[smem:$0x7FF] =	sst s3;
	s5 =	ssub.s32 $0x2, s5;
	s7 =	sshll.u32 s6, $0x6  }
0xa: {  	_ =	strace $0x80000047;
	s8 =	sshrl.u32 s5, $0x1;
	s7 =	sadd.s32 s7, s4  }
0xb: {  	s4 =	sadd.s32 $0x400, s4;
	s8 =	ssub.s32 s5, s8;
	s5 =	sshll.u32 s6, $0xC  }
0xc: {  	s6 =	sadd.s32 $0x2400, s7;
	s7 =	sor.u32 $0x800, s5;
	s8 =	smax.u32 s8, $0x1  }
.LBB2_1:
0xd: {  	[tilespmem:s3], [sflag:$0x1] =	stream.strided.gather [hbm4b:s6+s9], $0x6400, s10, s9, $0x38;
	[tilespmem:$0x1E1E8] =	vst v63  }
0xe: {  	_ = 	snop  }
0xf: {  	[tilespmem:s11], [sflag:$0x2] =	stream.linear.gather [hbm4b:s4+s3], $0xFDE8, $0x38;
	[tilespmem:$0x1E1E8] =	vst v63  }
0x10: {  	_ =	swait.ge [sflag:s12], $0x6400  }
0x11: {  	[sflag:s12] =	ssyncset.done $0x0  }
0x12: {  	[sflag:s12] =	ssyncadd.s32 $0xFFFF9C00  }
0x13: {  	_ =	swait.ge [sflag:s13], $0xFDE8  }
0x14: {  	[sflag:s13] =	ssyncset.done $0x0  }
0x15: {  	s21 =	simm.s32 $0x0;
	[sflag:s13] =	ssyncadd.s32 $0xFFFF0218  }
.LBB2_2:
0x16: {  	s22 =	sshll.u32 s21, $0x9  }
0x17: {  	s22 =	sand.u32 $0x3FFFFE00, s22  }
0x18: {  	v0 =	vld [tilespmem:s22+$0x0]  }
0x19: {  	v1 =	vld [tilespmem:s22+$0x10]  }
0x1a: {  	v2 =	vld [tilespmem:s22+$0x20]  }
0x1b: {  	v3 =	vld [tilespmem:s22+$0x30]  }
0x1c: {  	v4 =	vld [tilespmem:s22+$0x40]  }
0x1d: {  	v5 =	vld [tilespmem:s22+$0x50]  }
0x1e: {  	v6 =	vld [tilespmem:s22+$0x60]  }
0x1f: {  	v7 =	vld [tilespmem:s22+$0x70]  }
0x20: {  	v8 =	vld [tilespmem:s22+$0x80]  }
0x21: {  	v9 =	vld [tilespmem:s22+$0x90]  }
0x22: {  	v11 =	vld [tilespmem:s22+$0xC0]  }
0x23: {  	v10 =	vld [tilespmem:s22+$0xA0]  }
0x24: {  	s23 =	simm.s32 $0x0;
	v12 =	vld [tilespmem:s22+$0xB0]  }
0x25: {  	p0 =	seq.s32 s21, $0x0;
	v13 =	vld [tilespmem:s22+$0xD0];
	v15 =	vadd.s32 s23, v1  }
0x26: {  	s24 =	simm.s32 @!p0 $0x3;
	v16 =	vld [tilespmem:s22+$0xF0];
	v18 =	vadd.s32 s23, v9  }
0x27: {  	v14 =	vld [tilespmem:s22+$0xE0];
	_ =	swait.ge @!p0 [sflag:s24], $0x4000;
	v20 =	vadd.s32 s23, v11  }
0x28: {  	[sflag:s24] =	ssyncset.done @!p0 $0x0;
	v21 =	vadd.s32 s23, v10  }
0x29: {  	[sflag:s24] =	ssyncadd.s32 @!p0 $0xFFFFC000;
	v32 =	vadd.s32 s23, v12  }
0x2a: {  	v22 =	vld.idx.msk [tilespmem:v15+s11+$0x0], $0xffff  }
0x2b: {  	v17 =	vadd.s32 s23, v16;
	v25 =	vadd.s32 s23, v4;
	v18 =	vld.idx.msk [tilespmem:v18+s11+$0x0], $0xffff  }
0x2c: {  	v19 =	vadd.s32 s23, v3;
	v24 =	vadd.s32 s23, v5;
	v23 =	vadd.s32 s23, v6;
	v27 =	vld.idx.msk [tilespmem:v20+s11+$0x0], $0xffff  }
0x2d: {  	s31 =	simm.s32 $0x0;
	v26 =	vadd.s32 s23, v13;
	v29 =	vadd.s32 s23, v8;
	v28 =	vadd.s32 s23, v7;
	v20 =	vld.idx.msk [tilespmem:v21+s11+$0x0], $0xffff  }
0x2e: {  	s26 =	simm.s32 $0x200;
	s25 =	simm.s32 $0x0;
	s24 =	sand.u32 $0x3FFFFC00, s31;
	v30 =	vadd.s32 s23, v0;
	v31 =	vadd.s32 s23, v14;
	v15 =	vadd.s32 s23, v2;
	v21 =	vld.idx.msk [tilespmem:v32+s11+$0x0], $0xffff  }
.LBB2_3:
0x2f: {  	p1 =	sne.s32 s26, $0x7E00  }
0x30: {  	v32 =	vld.idx.msk [tilespmem:v25+s11+$0x0], $0xffff;
	s23 =	sadd.s32 $0x1, s23;
	s28 =	smov.u32 s26;
	s26 =	sadd.s32 $0x200, s26  }
0x31: {  	s29 =	sshll.u32 s23, $0x7;
	v33 =	vld.idx.msk [tilespmem:v24+s11+$0x0], $0xffff  }
0x32: {  	s29 =	sand.u32 $0x3FFFFC00, s29;
	v34 =	vld.idx.msk [tilespmem:v26+s11+$0x0], $0xffff  }
0x33: {  	v31 =	vld.idx.msk [tilespmem:v31+s11+$0x0], $0xffff  }
0x34: {  	v35 =	vld.idx.msk [tilespmem:v29+s11+$0x0], $0xffff  }
0x35: {  	v29 =	vadd.s32 s23, v16;
	v36 =	vld.idx.msk [tilespmem:v23+s11+$0x0], $0xffff  }
0x36: {  	v37 =	vadd.s32 s23, v1;
	v38 =	vadd.s32 s23, v2;
	v39 =	vadd.s32 s23, v3;
	v40 =	vld.idx.msk [tilespmem:v28+s11+$0x0], $0xffff  }
0x37: {  	v25 =	vadd.s32 s23, v4;
	v24 =	vadd.s32 s23, v5;
	v41 =	vadd.s32 s23, v11;
	v30 =	vld.idx.msk [tilespmem:v30+s11+$0x0], $0xffff  }
0x38: {  	s30 =	sshra.s32 s25, $0x2;
	v42 =	vadd.s32 s23, v12;
	s25 =	smov.u32 s28;
	v26 =	vadd.s32 s23, v13;
	v23 =	vadd.s32 s23, v6;
	v43 =	vld.idx.msk [tilespmem:v17+s11+$0x0], $0xffff;
	v17 =	vmovc v29  }
0x39: {  	v44 =	vadd.s32 s23, v10;
	s28 =	sadd.s32 s30, s24;
	s24 =	smov.u32 s29;
	v45 =	vld.idx.msk [tilespmem:v15+s11+$0x0], $0xffff;
	v15 =	vmov v38  }
0x3a: {  	s29 =	sadd.s32 $0x161E8, s28;
	v38 =	vadd.s32 s23, v9;
	v46 =	vld.idx.msk [tilespmem:v19+s11+$0x0], $0xffff;
	v19 =	vmov v39  }
0x3b: {  	v29 =	vadd.s32 s23, v8;
	[tilespmem:s29+$0x440] =	vst v27  }
0x3c: {  	v28 =	vadd.s32 s23, v7;
	[tilespmem:s29+$0x40] =	vst v32  }
0x3d: {  	[tilespmem:s28+$0x161E8] =	vst v30  }
0x3e: {  	[tilespmem:s29+$0x10] =	vst v22  }
0x3f: {  	[tilespmem:s29+$0x470] =	vst v43  }
0x40: {  	[tilespmem:s29+$0x30] =	vst v46  }
0x41: {  	[tilespmem:s29+$0x50] =	vst v33  }
0x42: {  	[tilespmem:s29+$0x60] =	vst v36  }
0x43: {  	[tilespmem:s29+$0x70] =	vst v40  }
0x44: {  	v30 =	vadd.s32 s23, v0;
	[tilespmem:s29+$0x400] =	vst v35  }
0x45: {  	[tilespmem:s29+$0x410] =	vst v18  }
0x46: {  	[tilespmem:s29+$0x420] =	vst v20  }
0x47: {  	[tilespmem:s29+$0x430] =	vst v21  }
0x48: {  	[tilespmem:s29+$0x450] =	vst v34  }
0x49: {  	[tilespmem:s29+$0x460] =	vst v31  }
0x4a: {  	[tilespmem:s29+$0x20] =	vst v45  }
.Ltmp0:
0x4b: {  	v22 =	vld.idx.msk [tilespmem:v37+s11+$0x0], $0xffff;
	(pc) =	sbr.rel @p1 .LBB2_3-.Ltmp0, $4  }
0x4c: {  	v18 =	vld.idx.msk [tilespmem:v38+s11+$0x0], $0xffff  }
0x4d: {  	v27 =	vld.idx.msk [tilespmem:v41+s11+$0x0], $0xffff  }
0x4e: {  	v31 =	vadd.s32 s23, v14;
	v20 =	vld.idx.msk [tilespmem:v44+s11+$0x0], $0xffff  }
0x4f: {  	v21 =	vld.idx.msk [tilespmem:v42+s11+$0x0], $0xffff  }
0x50: {  	_ =	sdelay $0x3  }
0x51: {  	v0 =	vld.idx.msk [tilespmem:v25+s11+$0x0], $0xffff  }
0x52: {  	v1 =	vld.idx.msk [tilespmem:v24+s11+$0x0], $0xffff  }
0x53: {  	v2 =	vld.idx.msk [tilespmem:v26+s11+$0x0], $0xffff  }
0x54: {  	v3 =	vld.idx.msk [tilespmem:v31+s11+$0x0], $0xffff  }
0x55: {  	v4 =	vld.idx.msk [tilespmem:v29+s11+$0x0], $0xffff  }
0x56: {  	v5 =	vld.idx.msk [tilespmem:v23+s11+$0x0], $0xffff  }
0x57: {  	v6 =	vld.idx.msk [tilespmem:v28+s11+$0x0], $0xffff  }
0x58: {  	v7 =	vld.idx.msk [tilespmem:v30+s11+$0x0], $0xffff;
	s23 =	sshra.s32 s25, $0x2  }
0x59: {  	v8 =	vld.idx.msk [tilespmem:v17+s11+$0x0], $0xffff;
	s23 =	sadd.s32 s23, s24  }
0x5a: {  	v9 =	vld.idx.msk [tilespmem:v15+s11+$0x0], $0xffff;
	s24 =	sadd.s32 $0x161E8, s23  }
0x5b: {  	v10 =	vld.idx.msk [tilespmem:v19+s11+$0x0], $0xffff;
	[tilespmem:s24+$0x440] =	vst v27  }
0x5c: {  	[tilespmem:s24+$0x40] =	vst v0  }
0x5d: {  	[tilespmem:s23+$0x161E8] =	vst v7  }
0x5e: {  	[tilespmem:s24+$0x10] =	vst v22  }
0x5f: {  	[tilespmem:s24+$0x470] =	vst v8  }
0x60: {  	[tilespmem:s24+$0x30] =	vst v10  }
0x61: {  	[tilespmem:s24+$0x50] =	vst v1  }
0x62: {  	[tilespmem:s24+$0x60] =	vst v5  }
0x63: {  	[tilespmem:s24+$0x70] =	vst v6  }
0x64: {  	[tilespmem:s24+$0x400] =	vst v4  }
0x65: {  	[tilespmem:s24+$0x410] =	vst v18  }
0x66: {  	[tilespmem:s24+$0x420] =	vst v20  }
0x67: {  	s23 =	sshll.u32 s21, $0x14;
	[tilespmem:s24+$0x430] =	vst v21  }
0x68: {  	[tilespmem:s24+$0x450] =	vst v2;
	s29 =	sor.u32 s5, s23  }
0x69: {  	[tilespmem:s24+$0x460] =	vst v3;
	s25 =	sshrl.u32 s29, $0x3  }
0x6a: {  	[tilespmem:s24+$0x20] =	vst v9;
	s30 =	sadd.s32 s2, s25  }
0x6b: {  	[hbm4b:s30+s14] =	stream.strided.scatter [tilespmem:s16], [sflag:$0x3], $0x4000, s15, s14, $0x38;
	[tilespmem:$0x1E1E8] =	vst v63  }
0x6c: {  	v0 =	vld [tilespmem:s22+$0x100]  }
0x6d: {  	v1 =	vld [tilespmem:s22+$0x110]  }
0x6e: {  	v2 =	vld [tilespmem:s22+$0x120]  }
0x6f: {  	v3 =	vld [tilespmem:s22+$0x130]  }
0x70: {  	v4 =	vld [tilespmem:s22+$0x140]  }
0x71: {  	v5 =	vld [tilespmem:s22+$0x150]  }
0x72: {  	v6 =	vld [tilespmem:s22+$0x160]  }
0x73: {  	v7 =	vld [tilespmem:s22+$0x170]  }
0x74: {  	v8 =	vld [tilespmem:s22+$0x180]  }
0x75: {  	v9 =	vld [tilespmem:s22+$0x190]  }
0x76: {  	v10 =	vld [tilespmem:s22+$0x1A0]  }
0x77: {  	v11 =	vld [tilespmem:s22+$0x1C0]  }
0x78: {  	v12 =	vld [tilespmem:s22+$0x1B0]  }
0x79: {  	s24 =	simm.s32 $0x0;
	v13 =	vld [tilespmem:s22+$0x1D0]  }
0x7a: {  	v14 =	vld [tilespmem:s22+$0x1E0];
	v15 =	vadd.s32 s24, v1  }
0x7b: {  	v16 =	vld [tilespmem:s22+$0x1F0];
	s22 =	simm.s32 @!p0 $0x4;
	v18 =	vadd.s32 s24, v9  }
0x7c: {  	_ =	swait.ge @!p0 [sflag:s22], $0x4000;
	v20 =	vadd.s32 s24, v11  }
0x7d: {  	[sflag:s22] =	ssyncset.done @!p0 $0x0;
	v21 =	vadd.s32 s24, v10  }
0x7e: {  	[sflag:s22] =	ssyncadd.s32 @!p0 $0xFFFFC000;
	v32 =	vadd.s32 s24, v12  }
0x7f: {  	v22 =	vld.idx.msk [tilespmem:v15+s11+$0x0], $0xffff  }
0x80: {  	v17 =	vadd.s32 s24, v16;
	v25 =	vadd.s32 s24, v4;
	v18 =	vld.idx.msk [tilespmem:v18+s11+$0x0], $0xffff  }
0x81: {  	v19 =	vadd.s32 s24, v3;
	v24 =	vadd.s32 s24, v5;
	v23 =	vadd.s32 s24, v6;
	v27 =	vld.idx.msk [tilespmem:v20+s11+$0x0], $0xffff  }
0x82: {  	s31 =	simm.s32 $0x0;
	v26 =	vadd.s32 s24, v13;
	v29 =	vadd.s32 s24, v8;
	v28 =	vadd.s32 s24, v7;
	v20 =	vld.idx.msk [tilespmem:v21+s11+$0x0], $0xffff  }
0x83: {  	s26 =	simm.s32 $0x200;
	s25 =	simm.s32 $0x0;
	s22 =	sand.u32 $0x3FFFFC00, s31;
	v30 =	vadd.s32 s24, v0;
	v31 =	vadd.s32 s24, v14;
	v15 =	vadd.s32 s24, v2;
	v21 =	vld.idx.msk [tilespmem:v32+s11+$0x0], $0xffff  }
.LBB2_5:
0x84: {  	p0 =	sne.s32 s26, $0x7E00  }
0x85: {  	v32 =	vld.idx.msk [tilespmem:v25+s11+$0x0], $0xffff;
	s24 =	sadd.s32 $0x1, s24;
	s28 =	smov.u32 s26;
	s26 =	sadd.s32 $0x200, s26  }
0x86: {  	s29 =	sshll.u32 s24, $0x7;
	v33 =	vld.idx.msk [tilespmem:v24+s11+$0x0], $0xffff  }
0x87: {  	s29 =	sand.u32 $0x3FFFFC00, s29;
	v34 =	vld.idx.msk [tilespmem:v26+s11+$0x0], $0xffff  }
0x88: {  	v31 =	vld.idx.msk [tilespmem:v31+s11+$0x0], $0xffff  }
0x89: {  	v35 =	vld.idx.msk [tilespmem:v29+s11+$0x0], $0xffff  }
0x8a: {  	v29 =	vadd.s32 s24, v16;
	v36 =	vld.idx.msk [tilespmem:v23+s11+$0x0], $0xffff  }
0x8b: {  	v37 =	vadd.s32 s24, v1;
	v38 =	vadd.s32 s24, v2;
	v39 =	vadd.s32 s24, v3;
	v40 =	vld.idx.msk [tilespmem:v28+s11+$0x0], $0xffff  }
0x8c: {  	v25 =	vadd.s32 s24, v4;
	v24 =	vadd.s32 s24, v5;
	v41 =	vadd.s32 s24, v11;
	v30 =	vld.idx.msk [tilespmem:v30+s11+$0x0], $0xffff  }
0x8d: {  	s30 =	sshra.s32 s25, $0x2;
	v42 =	vadd.s32 s24, v12;
	s25 =	smov.u32 s28;
	v26 =	vadd.s32 s24, v13;
	v23 =	vadd.s32 s24, v6;
	v43 =	vld.idx.msk [tilespmem:v17+s11+$0x0], $0xffff;
	v17 =	vmovc v29  }
0x8e: {  	v44 =	vadd.s32 s24, v10;
	s28 =	sadd.s32 s30, s22;
	s22 =	smov.u32 s29;
	v45 =	vld.idx.msk [tilespmem:v15+s11+$0x0], $0xffff;
	v15 =	vmov v38  }
0x8f: {  	s29 =	sadd.s32 $0x1A1E8, s28;
	v38 =	vadd.s32 s24, v9;
	v46 =	vld.idx.msk [tilespmem:v19+s11+$0x0], $0xffff;
	v19 =	vmov v39  }
0x90: {  	v29 =	vadd.s32 s24, v8;
	[tilespmem:s29+$0x440] =	vst v27  }
0x91: {  	v28 =	vadd.s32 s24, v7;
	[tilespmem:s29+$0x40] =	vst v32  }
0x92: {  	[tilespmem:s28+$0x1A1E8] =	vst v30  }
0x93: {  	[tilespmem:s29+$0x10] =	vst v22  }
0x94: {  	[tilespmem:s29+$0x470] =	vst v43  }
0x95: {  	[tilespmem:s29+$0x30] =	vst v46  }
0x96: {  	[tilespmem:s29+$0x50] =	vst v33  }
0x97: {  	[tilespmem:s29+$0x60] =	vst v36  }
0x98: {  	[tilespmem:s29+$0x70] =	vst v40  }
0x99: {  	v30 =	vadd.s32 s24, v0;
	[tilespmem:s29+$0x400] =	vst v35  }
0x9a: {  	[tilespmem:s29+$0x410] =	vst v18  }
0x9b: {  	[tilespmem:s29+$0x420] =	vst v20  }
0x9c: {  	[tilespmem:s29+$0x430] =	vst v21  }
0x9d: {  	[tilespmem:s29+$0x450] =	vst v34  }
0x9e: {  	[tilespmem:s29+$0x460] =	vst v31  }
0x9f: {  	[tilespmem:s29+$0x20] =	vst v45  }
.Ltmp1:
0xa0: {  	v22 =	vld.idx.msk [tilespmem:v37+s11+$0x0], $0xffff;
	(pc) =	sbr.rel @p0 .LBB2_5-.Ltmp1, $4  }
0xa1: {  	v18 =	vld.idx.msk [tilespmem:v38+s11+$0x0], $0xffff  }
0xa2: {  	v27 =	vld.idx.msk [tilespmem:v41+s11+$0x0], $0xffff  }
0xa3: {  	v31 =	vadd.s32 s24, v14;
	v20 =	vld.idx.msk [tilespmem:v44+s11+$0x0], $0xffff  }
0xa4: {  	v21 =	vld.idx.msk [tilespmem:v42+s11+$0x0], $0xffff  }
0xa5: {  	_ =	sdelay $0x3  }
0xa6: {  	v0 =	vld.idx.msk [tilespmem:v25+s11+$0x0], $0xffff  }
0xa7: {  	v1 =	vld.idx.msk [tilespmem:v24+s11+$0x0], $0xffff  }
0xa8: {  	v2 =	vld.idx.msk [tilespmem:v26+s11+$0x0], $0xffff  }
0xa9: {  	v3 =	vld.idx.msk [tilespmem:v31+s11+$0x0], $0xffff  }
0xaa: {  	v4 =	vld.idx.msk [tilespmem:v29+s11+$0x0], $0xffff  }
0xab: {  	v5 =	vld.idx.msk [tilespmem:v23+s11+$0x0], $0xffff  }
0xac: {  	v6 =	vld.idx.msk [tilespmem:v28+s11+$0x0], $0xffff  }
0xad: {  	v7 =	vld.idx.msk [tilespmem:v30+s11+$0x0], $0xffff;
	s24 =	sshra.s32 s25, $0x2  }
0xae: {  	v8 =	vld.idx.msk [tilespmem:v17+s11+$0x0], $0xffff;
	s22 =	sadd.s32 s24, s22  }
0xaf: {  	v9 =	vld.idx.msk [tilespmem:v15+s11+$0x0], $0xffff;
	s24 =	sadd.s32 $0x1A1E8, s22  }
0xb0: {  	v10 =	vld.idx.msk [tilespmem:v19+s11+$0x0], $0xffff;
	[tilespmem:s24+$0x440] =	vst v27  }
0xb1: {  	[tilespmem:s24+$0x40] =	vst v0  }
0xb2: {  	[tilespmem:s22+$0x1A1E8] =	vst v7  }
0xb3: {  	[tilespmem:s24+$0x10] =	vst v22  }
0xb4: {  	[tilespmem:s24+$0x470] =	vst v8  }
0xb5: {  	[tilespmem:s24+$0x30] =	vst v10  }
0xb6: {  	[tilespmem:s24+$0x50] =	vst v1  }
0xb7: {  	[tilespmem:s24+$0x60] =	vst v5  }
0xb8: {  	[tilespmem:s24+$0x70] =	vst v6  }
0xb9: {  	[tilespmem:s24+$0x400] =	vst v4  }
0xba: {  	s21 =	sadd.s32 $0x1, s21;
	[tilespmem:s24+$0x410] =	vst v18  }
0xbb: {  	p0 =	sne.s32 s21, $0x32;
	[tilespmem:s24+$0x420] =	vst v20  }
.Ltmp2:
0xbc: {  	[tilespmem:s24+$0x430] =	vst v21;
	(pc) =	sbr.rel @p0 .LBB2_2-.Ltmp2, $4  }
0xbd: {  	s31 =	sor.u32 s7, s23;
	[tilespmem:s24+$0x450] =	vst v2  }
0xbe: {  	s22 =	sshrl.u32 s31, $0x3;
	[tilespmem:s24+$0x460] =	vst v3  }
0xbf: {  	[tilespmem:s24+$0x20] =	vst v9;
	s22 =	sadd.s32 s2, s22  }
0xc0: {  	[hbm4b:s22+s14] =	stream.strided.scatter [tilespmem:s17], [sflag:$0x4], $0x4000, s15, s14, $0x38;
	[tilespmem:$0x1E1E8] =	vst v63  }
0xc1: {  	s20 =	sadd.s32 $0x1, s20  }
0xc2: {  	_ =	swait.ge [sflag:s18], $0x4000;
	p0 =	sne.s32 s20, s8  }
.Ltmp3:
0xc3: {  	[sflag:s18] =	ssyncset.done $0x0;
	(pc) =	sbr.rel @p0 .LBB2_1-.Ltmp3, $4  }
0xc4: {  	[sflag:s18] =	ssyncadd.s32 $0xFFFFC000  }
0xc5: {  	_ =	swait.ge [sflag:s19], $0x4000  }
0xc6: {  	[sflag:s19] =	ssyncset.done $0x0  }
0xc7: {  	[sflag:s19] =	ssyncadd.s32 $0xFFFFC000  }
0xc8: {  	_ =	sfence.sel $0x180000  }
0xc9: {  	[bflag:$0x0] =	sbarrier.arrive $0xFFFF  }
0xca: {  	p0 =	sne.s32 s0, $0x0;
	_ =	strace $0x90000047  }
0xcb: {  	s0 =	sadd.s32 @!p0 $0x100000, s1;
	[bflag:$0x2] =	sbarrier.arrive $0xFFFF  }
0xcc: {  	[sflag:s0] =	ssyncadd.tile.s32 @!p0 $0x1;
	_ =	shalt  }
.Lfunc_end2:
_tile_overlayer_lowered:
.L_overlay_start_2:
0xcd: {  	(tag) =	ssettag $0x2  }
0xce: {  	s0 =	rddreg [dreg:$0x0];
	s2 =	stileid.u32  }
0xcf: {  	s1 =	rddreg [dreg:$0x1];
	p0 =	sne.s32 s2, $0x0  }
0xd0: {  	s3 =	rddreg [dreg:$0x2];
	[bflag:$0x3] =	sbarrier.arrive $0xFFFF;
	s2 =	simm.s32 @!p0 $0x1C05  }
0xd1: {  	[timem:s3], [sflag:s2] =	dma.local @!p0 [hbm:s0], s1  }
0xd2: {  	s0 =	simm.s32 @!p0 $0x5  }
0xd3: {  	_ =	swait.ge @!p0 [sflag:s0], s1  }
0xd4: {  	s1 =	ssub.s32 @!p0 $0x0, s1;
	[sflag:s0] =	ssyncset.done @!p0 $0x0  }
0xd5: {  	[sflag:s0] =	ssyncadd.s32 @!p0 s1  }
0xd6: {  	[bflag:$0x3] =	sbarrier.arrive $0xFFFF  }
0xd7: {  	_ =	shalt  }

</sc_bundles>
